<compile_context>
chip_gen: v7x
topology: tpu7x:2x2x1
jax: 0.10.2.dev20260603
libtpu: 0.0.44.dev20260713+nightly
codegen_flags: <defaults>
</compile_context>

<pallas_src>
import functools

import jax
import jax.numpy as jnp
from jax import lax
from jax.experimental import pallas as pl
from jax.experimental.pallas import tpu as pltpu
from jax.experimental.pallas import tpu_sc as plsc

F32 = jnp.float32

SC_CORES = 2
SC_SUBCORES = 16
NW = SC_CORES * SC_SUBCORES

GATHER_CHUNK = 80
SCATTER_CHUNK = 80
CNT_W = 16


def _uv_kernel(x_ref, wt_ref, w_ref):
    w_ref[...] = jnp.dot(x_ref[...], wt_ref[...],
                         preferred_element_type=F32)


def _stats1_kernel(gu_ref, gv_ref, s_ref, acc_ref):
    i = pl.program_id(0)

    @pl.when(i == 0)
    def _():
        acc_ref[...] = jnp.zeros_like(acc_ref)

    h = gu_ref[...] + gv_ref[...]
    acc_ref[0:1, :] += jnp.sum(h, axis=0, keepdims=True)
    acc_ref[1:2, :] += jnp.sum(h * h, axis=0, keepdims=True)

    @pl.when(i == pl.num_programs(0) - 1)
    def _():
        s_ref[...] = acc_ref[...]


def _mlp2_kernel(gu_ref, gv_ref, s1_ref, g1_ref, be1_ref, w2t_ref,
                 h2_ref, s2_ref, acc_ref, *, inv_e):
    i = pl.program_id(0)

    @pl.when(i == 0)
    def _():
        acc_ref[...] = jnp.zeros_like(acc_ref)

    mean1 = s1_ref[0:1, :] * inv_e
    var1 = s1_ref[1:2, :] * inv_e - mean1 * mean1
    a1 = g1_ref[...] * lax.rsqrt(var1 + 1e-5)
    c1 = be1_ref[...] - mean1 * a1

    h1 = gu_ref[...] + gv_ref[...]
    z = jnp.maximum(h1 * a1 + c1, 0.0)
    h2 = jnp.dot(z, w2t_ref[...], preferred_element_type=F32)
    h2_ref[...] = h2
    acc_ref[0:1, :] += jnp.sum(h2, axis=0, keepdims=True)
    acc_ref[1:2, :] += jnp.sum(h2 * h2, axis=0, keepdims=True)

    @pl.when(i == pl.num_programs(0) - 1)
    def _():
        s2_ref[...] = acc_ref[...]


def _msg_kernel(h2_ref, s2_ref, g2_ref, be2_ref, msg_ref, *, inv_e):
    mean2 = s2_ref[0:1, :] * inv_e
    var2 = s2_ref[1:2, :] * inv_e - mean2 * mean2
    a2 = g2_ref[...] * lax.rsqrt(var2 + 1e-5)
    c2 = be2_ref[...] - mean2 * a2
    msg_ref[...] = jnp.maximum(h2_ref[...] * a2 + c2, 0.0)


def _combine_kernel(macc_ref, cacc_ref, out_ref):
    cnt = cacc_ref[0, :, 0:1]
    out_ref[...] = macc_ref[0] / jnp.maximum(cnt, 1.0)


def kernel(x, W1, b1, g1, be1, W2, b2, g2, be2, edge_index):
    n, d = x.shape
    h = W1.shape[0]
    e = edge_index.shape[1]
    per_w = e // NW
    half = 5120
    acc_rows = 5248
    rows_per_sub = acc_rows // SC_SUBCORES

    src = edge_index[0]
    dst = edge_index[1]
    src2 = src + jnp.int32(n)

    w1t = W1.T
    w2t = W2.T
    g1r = g1.reshape(1, h)
    be1r = be1.reshape(1, h)
    g2r = g2.reshape(1, h)
    be2r = be2.reshape(1, h)

    bn_rows = 1000
    nb = n // bn_rows
    w = pl.pallas_call(
        _uv_kernel,
        grid=(2, nb),
        in_specs=[
            pl.BlockSpec((bn_rows, d), lambda p, i: (i, 0)),
            pl.BlockSpec((d, h), lambda p, i: (p, 0)),
        ],
        out_specs=pl.BlockSpec((bn_rows, h), lambda p, i: (p * nb + i, 0)),
        out_shape=jax.ShapeDtypeStruct((2 * n, h), F32),
    )(x, w1t)

    mesh = plsc.VectorSubcoreMesh(core_axis_name="c", subcore_axis_name="s")
    c_g = GATHER_CHUNK

    @functools.partial(
        pl.kernel,
        mesh=mesh,
        out_type=[jax.ShapeDtypeStruct((e, h), F32),
                  jax.ShapeDtypeStruct((e, h), F32)],
        scratch_types=[
            pltpu.VMEM((per_w,), jnp.int32),
            pltpu.VMEM((per_w,), jnp.int32),
            pltpu.VMEM((2, c_g, h), F32),
            pltpu.VMEM((2, c_g, h), F32),
            pltpu.SemaphoreType.DMA,
            pltpu.SemaphoreType.DMA,
            pltpu.SemaphoreType.DMA,
            pltpu.SemaphoreType.DMA,
        ],
    )
    def _gather_kernel(w_hbm, dst_hbm, src2_hbm, gu_hbm, gv_hbm,
                       idxd, idxs, bu, bv, su0, su1, sv0, sv1):
        wid = lax.axis_index("s") * SC_CORES + lax.axis_index("c")
        base = wid * per_w
        pltpu.sync_copy(dst_hbm.at[pl.ds(base, per_w)], idxd)
        pltpu.sync_copy(src2_hbm.at[pl.ds(base, per_w)], idxs)

        sems = ((su0, sv0), (su1, sv1))

        def gather(j, b):
            s = pl.ds(j * c_g, c_g)
            pltpu.async_copy(w_hbm.at[idxd.at[s]], bu.at[b], sems[b][0])
            pltpu.async_copy(w_hbm.at[idxs.at[s]], bv.at[b], sems[b][1])

        def wait_write(j, b):
            s = pl.ds(j * c_g, c_g)
            pltpu.make_async_copy(w_hbm.at[idxd.at[s]], bu.at[b],
                                  sems[b][0]).wait()
            pltpu.make_async_copy(w_hbm.at[idxs.at[s]], bv.at[b],
                                  sems[b][1]).wait()
            rows = pl.ds(base + j * c_g, c_g)
            pltpu.sync_copy(bu.at[b], gu_hbm.at[rows])
            pltpu.sync_copy(bv.at[b], gv_hbm.at[rows])

        n_ch = per_w // c_g
        n_pairs = n_ch // 2
        gather(0, 0)

        @pl.loop(0, n_pairs)
        def _(k):
            j0 = 2 * k
            gather(j0 + 1, 1)
            wait_write(j0, 0)

            @pl.when(k < n_pairs - 1)
            def _():
                gather(j0 + 2, 0)

            wait_write(j0 + 1, 1)

        if n_ch % 2:
            gather(n_ch - 1, 0)
            wait_write(n_ch - 1, 0)

    gu, gv = _gather_kernel(w, dst, src2)

    per_w_s = e // SC_SUBCORES
    c_s = SCATTER_CHUNK
    ones_rows = jnp.zeros((c_s, h), F32).at[:, 0].set(1.0)
    z_rows = jnp.zeros((rows_per_sub, h), F32)

    @functools.partial(
        pl.kernel,
        mesh=mesh,
        out_type=jax.ShapeDtypeStruct((SC_CORES, acc_rows, h), F32),
        scratch_types=[
            pltpu.VMEM((per_w_s,), jnp.int32),
            pltpu.VMEM((per_w_s // c_s, c_s), jnp.int32),
            pltpu.VMEM((2, c_s, h), F32),
            pltpu.VMEM_SHARED((acc_rows, h), F32),
            pltpu.VMEM_SHARED((c_s, h), F32),
            pltpu.SemaphoreType.DMA,
            pltpu.SemaphoreType.DMA,
        ],
    )
    def _count_kernel(dst_hbm, ones_hbm, z128_hbm, cacc_hbm,
                      idxa, idxt2, obuf, scnt, tmpl, so0, so1):
        cid = lax.axis_index("c")
        sid = lax.axis_index("s")
        my_rows = pl.ds(sid * rows_per_sub, rows_per_sub)
        pltpu.sync_copy(z128_hbm, scnt.at[my_rows])

        @pl.when(sid == 0)
        def _():
            pltpu.sync_copy(ones_hbm, tmpl)

        base = sid * per_w_s
        row0 = cid * half
        pltpu.sync_copy(dst_hbm.at[pl.ds(base, per_w_s)], idxa)

        @pl.loop(0, per_w_s // c_s)
        def _(r):
            @pl.loop(0, c_s, step=16)
            def _(c):
                t = idxa[pl.ds(r * c_s + c, 16)] - row0
                keep = (t >= 0) & (t < half)
                idxt2[r, pl.ds(c, 16)] = jnp.where(keep, t, half)

        plsc.subcore_barrier()

        sems = (so0, so1)

        def load(j, b):
            pltpu.async_copy(tmpl, obuf.at[b], sems[b])

        def wait_scatter(j, b):
            pltpu.make_async_copy(tmpl, obuf.at[b], sems[b]).wait()
            pltpu.sync_copy(obuf.at[b], scnt.at[idxt2.at[j]], add=True)

        n_ch = per_w_s // c_s
        load(0, 0)

        @pl.loop(0, n_ch // 2)
        def _(k):
            j0 = 2 * k
            load(j0 + 1, 1)
            wait_scatter(j0, 0)

            @pl.when(k < n_ch // 2 - 1)
            def _():
                load(j0 + 2, 0)

            wait_scatter(j0 + 1, 1)

        plsc.subcore_barrier()
        pltpu.sync_copy(scnt.at[my_rows], cacc_hbm.at[cid, my_rows])

    cacc = _count_kernel(dst, ones_rows, z_rows)

    be_rows = 4000
    ge = e // be_rows
    s1 = pl.pallas_call(
        _stats1_kernel,
        grid=(ge,),
        in_specs=[
            pl.BlockSpec((be_rows, h), lambda i: (i, 0)),
            pl.BlockSpec((be_rows, h), lambda i: (i, 0)),
        ],
        out_specs=pl.BlockSpec((2, h), lambda i: (0, 0)),
        out_shape=jax.ShapeDtypeStruct((2, h), F32),
        scratch_shapes=[pltpu.VMEM((2, h), F32)],
    )(gu, gv)

    h2, s2 = pl.pallas_call(
        functools.partial(_mlp2_kernel, inv_e=1.0 / e),
        grid=(ge,),
        in_specs=[
            pl.BlockSpec((be_rows, h), lambda i: (i, 0)),
            pl.BlockSpec((be_rows, h), lambda i: (i, 0)),
            pl.BlockSpec((2, h), lambda i: (0, 0)),
            pl.BlockSpec((1, h), lambda i: (0, 0)),
            pl.BlockSpec((1, h), lambda i: (0, 0)),
            pl.BlockSpec((h, h), lambda i: (0, 0)),
        ],
        out_specs=[
            pl.BlockSpec((be_rows, h), lambda i: (i, 0)),
            pl.BlockSpec((2, h), lambda i: (0, 0)),
        ],
        out_shape=[jax.ShapeDtypeStruct((e, h), F32),
                   jax.ShapeDtypeStruct((2, h), F32)],
        scratch_shapes=[pltpu.VMEM((2, h), F32)],
    )(gu, gv, s1, g1r, be1r, w2t)

    msg = pl.pallas_call(
        functools.partial(_msg_kernel, inv_e=1.0 / e),
        grid=(ge,),
        in_specs=[
            pl.BlockSpec((be_rows, h), lambda i: (i, 0)),
            pl.BlockSpec((2, h), lambda i: (0, 0)),
            pl.BlockSpec((1, h), lambda i: (0, 0)),
            pl.BlockSpec((1, h), lambda i: (0, 0)),
        ],
        out_specs=pl.BlockSpec((be_rows, h), lambda i: (i, 0)),
        out_shape=jax.ShapeDtypeStruct((e, h), F32),
    )(h2, s2, g2r, be2r)

    @functools.partial(
        pl.kernel,
        mesh=mesh,
        out_type=jax.ShapeDtypeStruct((SC_CORES, acc_rows, h), F32),
        scratch_types=[
            pltpu.VMEM((per_w_s,), jnp.int32),
            pltpu.VMEM((per_w_s // c_s, c_s), jnp.int32),
            pltpu.VMEM((2, c_s, h), F32),
            pltpu.VMEM_SHARED((acc_rows, h), F32),
            pltpu.SemaphoreType.DMA,
            pltpu.SemaphoreType.DMA,
        ],
    )
    def _scatter_kernel(msg_hbm, dst_hbm, z128_hbm, macc_hbm,
                        idxa, idxt2, mbuf, sacc, sm0, sm1):
        cid = lax.axis_index("c")
        sid = lax.axis_index("s")
        my_rows = pl.ds(sid * rows_per_sub, rows_per_sub)
        pltpu.sync_copy(z128_hbm, sacc.at[my_rows])

        base = sid * per_w_s
        row0 = cid * half
        pltpu.sync_copy(dst_hbm.at[pl.ds(base, per_w_s)], idxa)

        @pl.loop(0, per_w_s // c_s)
        def _(r):
            @pl.loop(0, c_s, step=16)
            def _(c):
                t = idxa[pl.ds(r * c_s + c, 16)] - row0
                keep = (t >= 0) & (t < half)
                idxt2[r, pl.ds(c, 16)] = jnp.where(keep, t, half)

        plsc.subcore_barrier()

        sems = (sm0, sm1)

        def load(j, b):
            pltpu.async_copy(msg_hbm.at[pl.ds(base + j * c_s, c_s)],
                             mbuf.at[b], sems[b])

        def wait_scatter(j, b):
            pltpu.make_async_copy(msg_hbm.at[pl.ds(base + j * c_s, c_s)],
                                  mbuf.at[b], sems[b]).wait()
            pltpu.sync_copy(mbuf.at[b], sacc.at[idxt2.at[j]], add=True)

        n_ch = per_w_s // c_s
        load(0, 0)

        @pl.loop(0, n_ch // 2)
        def _(k):
            j0 = 2 * k
            load(j0 + 1, 1)
            wait_scatter(j0, 0)

            @pl.when(k < n_ch // 2 - 1)
            def _():
                load(j0 + 2, 0)

            wait_scatter(j0 + 1, 1)

        plsc.subcore_barrier()
        pltpu.sync_copy(sacc.at[my_rows], macc_hbm.at[cid, my_rows])

    macc = _scatter_kernel(msg, dst, z_rows)

    bn_out = 1280
    out_pad = pl.pallas_call(
        _combine_kernel,
        grid=(SC_CORES, half // bn_out),
        in_specs=[
            pl.BlockSpec((1, bn_out, h), lambda c, i: (c, i, 0)),
            pl.BlockSpec((1, bn_out, h), lambda c, i: (c, i, 0)),
        ],
        out_specs=pl.BlockSpec((bn_out, h),
                               lambda c, i: (c * (half // bn_out) + i, 0)),
        out_shape=jax.ShapeDtypeStruct((SC_CORES * half, h), F32),
    )(macc, cacc)
    out = out_pad[:n]

    return (out, msg)

# --- scband reference (transcript-rebuilt; emitter-appended) ---
"""Pipeline reference for scband-edge-conv-block-36240934043761 (READ-ONLY COPY).

The authoritative reference and input builder live on the scoring server;
editing this copy changes nothing except your own understanding.
"""

import jax, jax.numpy as jnp
import numpy as np

N = 10000
E = 320000
D = 128
H = 128


def setup_inputs(seed: int = 0) -> dict:
    key = jax.random.key(seed)
    ks = jax.random.split(key, 8)
    x = jax.random.normal(ks[0], (N, D), dtype=jnp.float32)
    edge_index = jax.random.randint(ks[1], (2, E), 0, N, dtype=jnp.int32)
    # MLP layer 1: Linear(2*D -> H) + BatchNorm1d(H) + ReLU
    W1 = jax.random.normal(ks[2], (H, 2 * D), dtype=jnp.float32) * (1.0 / np.sqrt(2 * D))
    b1 = jnp.zeros((H,), dtype=jnp.float32)
    g1 = jnp.ones((H,), dtype=jnp.float32)
    be1 = jnp.zeros((H,), dtype=jnp.float32)
    # MLP layer 2 (depth=1): Linear(H -> H) + BatchNorm1d(H) + ReLU
    W2 = jax.random.normal(ks[3], (H, H), dtype=jnp.float32) * (1.0 / np.sqrt(H))
    b2 = jnp.zeros((H,), dtype=jnp.float32)
    g2 = jnp.ones((H,), dtype=jnp.float32)
    be2 = jnp.zeros((H,), dtype=jnp.float32)
    return {"x": x, "W1": W1, "b1": b1, "g1": g1, "be1": be1,
            "W2": W2, "b2": b2, "g2": g2, "be2": be2,
            "edge_index": edge_index}


def _bn(h, g, b, eps=1e-5):
    # BatchNorm1d in training mode: biased batch statistics
    m = jnp.mean(h, axis=0)
    v = jnp.var(h, axis=0)
    return (h - m) * jax.lax.rsqrt(v + eps) * g + b


def reference(x, W1, b1, g1, be1, W2, b2, g2, be2, edge_index):
    src = edge_index[0]  # j (source)
    dst = edge_index[1]  # i (target)
    x_i = jnp.take(x, dst, axis=0)
    x_j = jnp.take(x, src, axis=0)
    h = jnp.concatenate([x_i, x_j], axis=-1)  # note: [x_i, x_j], NOT x_j - x_i
    h = h @ W1.T + b1
    h = jax.nn.relu(_bn(h, g1, be1))
    h = h @ W2.T + b2
    msg = jax.nn.relu(_bn(h, g2, be2))  # edge_activations == message
    # aggr='mean': scatter-mean over destination nodes
    cnt = jax.ops.segment_sum(jnp.ones((E, 1), dtype=jnp.float32), dst, num_segments=N)
    out = jax.ops.segment_sum(msg, dst, num_segments=N) / jnp.maximum(cnt, 1.0)
    return (out, msg)

if __name__ == "__main__":
    import jax
    _d = setup_inputs()
    print(jax.jit(kernel)(*tuple(_d.values())))

</pallas_src>

<mosaic_0001>
#map = affine_map<(d0, d1) -> (0, 0)>
#map1 = affine_map<(d0, d1) -> (0)>
module attributes {stable_mosaic.version = 14 : i64} {
  func.func @_gather_kernel(%arg0: i32, %arg1: i32, %arg2: memref<20000x128xf32, #tpu.memory_space<hbm>>, %arg3: memref<320000xi32, #tpu.memory_space<hbm>>, %arg4: memref<320000xi32, #tpu.memory_space<hbm>>, %arg5: memref<320000x128xf32, #tpu.memory_space<hbm>>, %arg6: memref<320000x128xf32, #tpu.memory_space<hbm>>, %arg7: memref<10000xi32, #tpu.memory_space<vmem>>, %arg8: memref<10000xi32, #tpu.memory_space<vmem>>, %arg9: memref<2x80x128xf32, #tpu.memory_space<vmem>>, %arg10: memref<2x80x128xf32, #tpu.memory_space<vmem>>, %arg11: memref<!tpu.dma_semaphore, #tpu.memory_space<semaphore_mem>>, %arg12: memref<!tpu.dma_semaphore, #tpu.memory_space<semaphore_mem>>, %arg13: memref<!tpu.dma_semaphore, #tpu.memory_space<semaphore_mem>>, %arg14: memref<!tpu.dma_semaphore, #tpu.memory_space<semaphore_mem>>) attributes {dimension_semantics = [#tpu.dimension_semantics<core_parallel>, #tpu.dimension_semantics<subcore_parallel>], iteration_bounds = array<i64: 2, 16>, scalar_prefetch = 0 : i64, scratch_operands = 8 : i64, tpu.core_type = #tpu.core_type<sc_vector_subcore>, window_params = [{transform_indices = #map}, {transform_indices = #map1}, {transform_indices = #map1}, {transform_indices = #map}, {transform_indices = #map}]} {
    %mul3A = arith.constant 2 : i32
    %mul3A_0 = arith.muli %arg1, %mul3A : i32
    %add3A = arith.addi %mul3A_0, %arg0 : i32
    %mul3A_1 = arith.constant 10000 : i32
    %mul3A_2 = arith.muli %add3A, %mul3A_1 : i32
    "tpu.region"() ({
      %run_scoped3A_68 = tpu.sem_alloc : memref<!tpu.dma_semaphore, #tpu.memory_space<semaphore_mem>>
      %dma_start3A_69 = tpu.memref_slice %arg3[%mul3A_2] : memref<320000xi32, #tpu.memory_space<hbm>> -> memref<10000xi32, #tpu.memory_space<hbm>>
      %dma_start3A_70 = tpu.memref_slice %arg3[%mul3A_2] : memref<320000xi32, #tpu.memory_space<hbm>> -> memref<10000xi32, #tpu.memory_space<hbm>>
      tpu.enqueue_dma source(%dma_start3A_70 : memref<10000xi32, #tpu.memory_space<hbm>>) target(%arg7 : memref<10000xi32, #tpu.memory_space<vmem>>) target_semaphore(%run_scoped3A_68 : memref<!tpu.dma_semaphore, #tpu.memory_space<semaphore_mem>>)
      %dma_wait3A_71 = tpu.memref_slice %arg3[%mul3A_2] : memref<320000xi32, #tpu.memory_space<hbm>> -> memref<10000xi32, #tpu.memory_space<hbm>>
      %dma_wait3A_72 = tpu.memref_slice %arg3[%mul3A_2] : memref<320000xi32, #tpu.memory_space<hbm>> -> memref<10000xi32, #tpu.memory_space<hbm>>
      tpu.wait_dma2 semaphore(%run_scoped3A_68 : memref<!tpu.dma_semaphore, #tpu.memory_space<semaphore_mem>>) src(%dma_wait3A_72 : memref<10000xi32, #tpu.memory_space<hbm>>) dst(%arg7 : memref<10000xi32, #tpu.memory_space<vmem>>)
      tpu.yield
    }) : () -> ()
    "tpu.region"() ({
      %run_scoped3A_68 = tpu.sem_alloc : memref<!tpu.dma_semaphore, #tpu.memory_space<semaphore_mem>>
      %dma_start3A_69 = tpu.memref_slice %arg4[%mul3A_2] : memref<320000xi32, #tpu.memory_space<hbm>> -> memref<10000xi32, #tpu.memory_space<hbm>>
      %dma_start3A_70 = tpu.memref_slice %arg4[%mul3A_2] : memref<320000xi32, #tpu.memory_space<hbm>> -> memref<10000xi32, #tpu.memory_space<hbm>>
      tpu.enqueue_dma source(%dma_start3A_70 : memref<10000xi32, #tpu.memory_space<hbm>>) target(%arg8 : memref<10000xi32, #tpu.memory_space<vmem>>) target_semaphore(%run_scoped3A_68 : memref<!tpu.dma_semaphore, #tpu.memory_space<semaphore_mem>>)
      %dma_wait3A_71 = tpu.memref_slice %arg4[%mul3A_2] : memref<320000xi32, #tpu.memory_space<hbm>> -> memref<10000xi32, #tpu.memory_space<hbm>>
      %dma_wait3A_72 = tpu.memref_slice %arg4[%mul3A_2] : memref<320000xi32, #tpu.memory_space<hbm>> -> memref<10000xi32, #tpu.memory_space<hbm>>
      tpu.wait_dma2 semaphore(%run_scoped3A_68 : memref<!tpu.dma_semaphore, #tpu.memory_space<semaphore_mem>>) src(%dma_wait3A_72 : memref<10000xi32, #tpu.memory_space<hbm>>) dst(%arg8 : memref<10000xi32, #tpu.memory_space<vmem>>)
      tpu.yield
    }) : () -> ()
    %dma_start3A = arith.constant 0 : i32
    %dma_start3A_3 = arith.constant 0 : i32
    %dma_start3A_4 = arith.constant 0 : i32
    %dma_start3A_5 = tpu.memref_slice %arg9[%dma_start3A, %dma_start3A_3, %dma_start3A_4] : memref<2x80x128xf32, #tpu.memory_space<vmem>> -> memref<1x80x128xf32, #tpu.memory_space<vmem>>
    %dma_start3A_6 = tpu.memref_squeeze %dma_start3A_5 : memref<1x80x128xf32, #tpu.memory_space<vmem>> -> memref<80x128xf32, #tpu.memory_space<vmem>>
    %dma_start3A_7 = arith.constant 0 : i32
    %dma_start3A_8 = tpu.memref_slice %arg7[%dma_start3A_7] : memref<10000xi32, #tpu.memory_space<vmem>> -> memref<80xi32, #tpu.memory_space<vmem>>
    %dma_start3A_9 = arith.constant 0 : i32
    %dma_start3A_10 = arith.constant 0 : i32
    %dma_start3A_11 = tpu.memref_slice %arg2[%dma_start3A_9, %dma_start3A_10] : memref<20000x128xf32, #tpu.memory_space<hbm>> -> memref<20000x128xf32, #tpu.memory_space<hbm>>
    tpu.enqueue_indirect_dma source(%dma_start3A_11 : memref<20000x128xf32, #tpu.memory_space<hbm>>) target(%dma_start3A_6 : memref<80x128xf32, #tpu.memory_space<vmem>>) offsets(%dma_start3A_8 : memref<80xi32, #tpu.memory_space<vmem>>) semaphore(%arg11 : memref<!tpu.dma_semaphore, #tpu.memory_space<semaphore_mem>>)
    %dma_start3A_12 = arith.constant 0 : i32
    %dma_start3A_13 = arith.constant 0 : i32
    %dma_start3A_14 = arith.constant 0 : i32
    %dma_start3A_15 = tpu.memref_slice %arg10[%dma_start3A_12, %dma_start3A_13, %dma_start3A_14] : memref<2x80x128xf32, #tpu.memory_space<vmem>> -> memref<1x80x128xf32, #tpu.memory_space<vmem>>
    %dma_start3A_16 = tpu.memref_squeeze %dma_start3A_15 : memref<1x80x128xf32, #tpu.memory_space<vmem>> -> memref<80x128xf32, #tpu.memory_space<vmem>>
    %dma_start3A_17 = arith.constant 0 : i32
    %dma_start3A_18 = tpu.memref_slice %arg8[%dma_start3A_17] : memref<10000xi32, #tpu.memory_space<vmem>> -> memref<80xi32, #tpu.memory_space<vmem>>
    %dma_start3A_19 = arith.constant 0 : i32
    %dma_start3A_20 = arith.constant 0 : i32
    %dma_start3A_21 = tpu.memref_slice %arg2[%dma_start3A_19, %dma_start3A_20] : memref<20000x128xf32, #tpu.memory_space<hbm>> -> memref<20000x128xf32, #tpu.memory_space<hbm>>
    tpu.enqueue_indirect_dma source(%dma_start3A_21 : memref<20000x128xf32, #tpu.memory_space<hbm>>) target(%dma_start3A_16 : memref<80x128xf32, #tpu.memory_space<vmem>>) offsets(%dma_start3A_18 : memref<80xi32, #tpu.memory_space<vmem>>) semaphore(%arg13 : memref<!tpu.dma_semaphore, #tpu.memory_space<semaphore_mem>>)
    %scan3A = arith.constant 0 : i32
    %scan3A_22 = arith.constant 62 : i32
    %scan3A_23 = arith.addi %scan3A, %scan3A_22 : i32
    %scan3A_24 = arith.constant 1 : i32
    scf.for %scan3A_68 = %scan3A to %scan3A_23 step %scan3A_24  : i32 {
      %mul3A_69 = arith.constant 1 : i32
      %mul3A_70 = arith.muli %scan3A_68, %mul3A_69 : i32
      %add3A_71 = arith.constant 0 : i32
      %add3A_72 = arith.addi %add3A_71, %mul3A_70 : i32
      %mul3A_73 = arith.constant 2 : i32
      %mul3A_74 = arith.muli %mul3A_73, %add3A_72 : i32
      %add3A_75 = arith.constant 1 : i32
      %add3A_76 = arith.addi %mul3A_74, %add3A_75 : i32
      %mul3A_77 = arith.constant 80 : i32
      %mul3A_78 = arith.muli %add3A_76, %mul3A_77 : i32
      %dma_start3A_79 = arith.constant 1 : i32
      %dma_start3A_80 = arith.constant 0 : i32
      %dma_start3A_81 = arith.constant 0 : i32
      %dma_start3A_82 = tpu.memref_slice %arg9[%dma_start3A_79, %dma_start3A_80, %dma_start3A_81] : memref<2x80x128xf32, #tpu.memory_space<vmem>> -> memref<1x80x128xf32, #tpu.memory_space<vmem>>
      %dma_start3A_83 = tpu.memref_squeeze %dma_start3A_82 : memref<1x80x128xf32, #tpu.memory_space<vmem>> -> memref<80x128xf32, #tpu.memory_space<vmem>>
      %dma_start3A_84 = tpu.memref_slice %arg7[%mul3A_78] : memref<10000xi32, #tpu.memory_space<vmem>> -> memref<80xi32, #tpu.memory_space<vmem>>
      %dma_start3A_85 = arith.constant 0 : i32
      %dma_start3A_86 = arith.constant 0 : i32
      %dma_start3A_87 = tpu.memref_slice %arg2[%dma_start3A_85, %dma_start3A_86] : memref<20000x128xf32, #tpu.memory_space<hbm>> -> memref<20000x128xf32, #tpu.memory_space<hbm>>
      tpu.enqueue_indirect_dma source(%dma_start3A_87 : memref<20000x128xf32, #tpu.memory_space<hbm>>) target(%dma_start3A_83 : memref<80x128xf32, #tpu.memory_space<vmem>>) offsets(%dma_start3A_84 : memref<80xi32, #tpu.memory_space<vmem>>) semaphore(%arg12 : memref<!tpu.dma_semaphore, #tpu.memory_space<semaphore_mem>>)
      %dma_start3A_88 = arith.constant 1 : i32
      %dma_start3A_89 = arith.constant 0 : i32
      %dma_start3A_90 = arith.constant 0 : i32
      %dma_start3A_91 = tpu.memref_slice %arg10[%dma_start3A_88, %dma_start3A_89, %dma_start3A_90] : memref<2x80x128xf32, #tpu.memory_space<vmem>> -> memref<1x80x128xf32, #tpu.memory_space<vmem>>
      %dma_start3A_92 = tpu.memref_squeeze %dma_start3A_91 : memref<1x80x128xf32, #tpu.memory_space<vmem>> -> memref<80x128xf32, #tpu.memory_space<vmem>>
      %dma_start3A_93 = tpu.memref_slice %arg8[%mul3A_78] : memref<10000xi32, #tpu.memory_space<vmem>> -> memref<80xi32, #tpu.memory_space<vmem>>
      %dma_start3A_94 = arith.constant 0 : i32
      %dma_start3A_95 = arith.constant 0 : i32
      %dma_start3A_96 = tpu.memref_slice %arg2[%dma_start3A_94, %dma_start3A_95] : memref<20000x128xf32, #tpu.memory_space<hbm>> -> memref<20000x128xf32, #tpu.memory_space<hbm>>
      tpu.enqueue_indirect_dma source(%dma_start3A_96 : memref<20000x128xf32, #tpu.memory_space<hbm>>) target(%dma_start3A_92 : memref<80x128xf32, #tpu.memory_space<vmem>>) offsets(%dma_start3A_93 : memref<80xi32, #tpu.memory_space<vmem>>) semaphore(%arg14 : memref<!tpu.dma_semaphore, #tpu.memory_space<semaphore_mem>>)
      %mul3A_97 = arith.constant 80 : i32
      %mul3A_98 = arith.muli %mul3A_74, %mul3A_97 : i32
      %dma_wait3A_99 = arith.constant 0 : i32
      %dma_wait3A_100 = arith.constant 0 : i32
      %dma_wait3A_101 = arith.constant 0 : i32
      %dma_wait3A_102 = tpu.memref_slice %arg9[%dma_wait3A_99, %dma_wait3A_100, %dma_wait3A_101] : memref<2x80x128xf32, #tpu.memory_space<vmem>> -> memref<1x80x128xf32, #tpu.memory_space<vmem>>
      %dma_wait3A_103 = tpu.memref_squeeze %dma_wait3A_102 : memref<1x80x128xf32, #tpu.memory_space<vmem>> -> memref<80x128xf32, #tpu.memory_space<vmem>>
      %dma_wait3A_104 = tpu.memref_slice %arg7[%mul3A_98] : memref<10000xi32, #tpu.memory_space<vmem>> -> memref<80xi32, #tpu.memory_space<vmem>>
      %dma_wait3A_105 = arith.constant 0 : i32
      %dma_wait3A_106 = arith.constant 0 : i32
      %dma_wait3A_107 = tpu.memref_slice %arg2[%dma_wait3A_105, %dma_wait3A_106] : memref<20000x128xf32, #tpu.memory_space<hbm>> -> memref<20000x128xf32, #tpu.memory_space<hbm>>
      tpu.wait_indirect_dma semaphore(%arg11 : memref<!tpu.dma_semaphore, #tpu.memory_space<semaphore_mem>>) src(%dma_wait3A_107 : memref<20000x128xf32, #tpu.memory_space<hbm>>) dst(%dma_wait3A_103 : memref<80x128xf32, #tpu.memory_space<vmem>>)
      %dma_wait3A_108 = arith.constant 0 : i32
      %dma_wait3A_109 = arith.constant 0 : i32
      %dma_wait3A_110 = arith.constant 0 : i32
      %dma_wait3A_111 = tpu.memref_slice %arg10[%dma_wait3A_108, %dma_wait3A_109, %dma_wait3A_110] : memref<2x80x128xf32, #tpu.memory_space<vmem>> -> memref<1x80x128xf32, #tpu.memory_space<vmem>>
      %dma_wait3A_112 = tpu.memref_squeeze %dma_wait3A_111 : memref<1x80x128xf32, #tpu.memory_space<vmem>> -> memref<80x128xf32, #tpu.memory_space<vmem>>
      %dma_wait3A_113 = tpu.memref_slice %arg8[%mul3A_98] : memref<10000xi32, #tpu.memory_space<vmem>> -> memref<80xi32, #tpu.memory_space<vmem>>
      %dma_wait3A_114 = arith.constant 0 : i32
      %dma_wait3A_115 = arith.constant 0 : i32
      %dma_wait3A_116 = tpu.memref_slice %arg2[%dma_wait3A_114, %dma_wait3A_115] : memref<20000x128xf32, #tpu.memory_space<hbm>> -> memref<20000x128xf32, #tpu.memory_space<hbm>>
      tpu.wait_indirect_dma semaphore(%arg13 : memref<!tpu.dma_semaphore, #tpu.memory_space<semaphore_mem>>) src(%dma_wait3A_116 : memref<20000x128xf32, #tpu.memory_space<hbm>>) dst(%dma_wait3A_112 : memref<80x128xf32, #tpu.memory_space<vmem>>)
      %mul3A_117 = arith.constant 80 : i32
      %mul3A_118 = arith.muli %mul3A_74, %mul3A_117 : i32
      %add3A_119 = arith.addi %mul3A_2, %mul3A_118 : i32
      %run_scoped3A_120 = arith.constant 0 : i32
      "tpu.region"() ({
        %run_scoped3A_151 = tpu.sem_alloc : memref<!tpu.dma_semaphore, #tpu.memory_space<semaphore_mem>>
        %dma_start3A_152 = arith.constant 0 : i32
        %dma_start3A_153 = arith.constant 0 : i32
        %dma_start3A_154 = tpu.memref_slice %arg9[%run_scoped3A_120, %dma_start3A_152, %dma_start3A_153] : memref<2x80x128xf32, #tpu.memory_space<vmem>> -> memref<1x80x128xf32, #tpu.memory_space<vmem>>
        %dma_start3A_155 = tpu.memref_squeeze %dma_start3A_154 : memref<1x80x128xf32, #tpu.memory_space<vmem>> -> memref<80x128xf32, #tpu.memory_space<vmem>>
        %dma_start3A_156 = arith.constant 0 : i32
        %dma_start3A_157 = tpu.memref_slice %arg5[%add3A_119, %dma_start3A_156] : memref<320000x128xf32, #tpu.memory_space<hbm>> -> memref<80x128xf32, #tpu.memory_space<hbm>>
        %dma_start3A_158 = arith.constant 0 : i32
        %dma_start3A_159 = tpu.memref_slice %arg5[%add3A_119, %dma_start3A_158] : memref<320000x128xf32, #tpu.memory_space<hbm>> -> memref<80x128xf32, #tpu.memory_space<hbm>>
        %dma_start3A_160 = arith.constant 0 : i32
        %dma_start3A_161 = arith.constant 0 : i32
        %dma_start3A_162 = tpu.memref_slice %arg9[%run_scoped3A_120, %dma_start3A_160, %dma_start3A_161] : memref<2x80x128xf32, #tpu.memory_space<vmem>> -> memref<1x80x128xf32, #tpu.memory_space<vmem>>
        %dma_start3A_163 = tpu.memref_squeeze %dma_start3A_162 : memref<1x80x128xf32, #tpu.memory_space<vmem>> -> memref<80x128xf32, #tpu.memory_space<vmem>>
        tpu.enqueue_dma source(%dma_start3A_163 : memref<80x128xf32, #tpu.memory_space<vmem>>) target(%dma_start3A_159 : memref<80x128xf32, #tpu.memory_space<hbm>>) target_semaphore(%run_scoped3A_151 : memref<!tpu.dma_semaphore, #tpu.memory_space<semaphore_mem>>)
        %dma_wait3A_164 = arith.constant 0 : i32
        %dma_wait3A_165 = arith.constant 0 : i32
        %dma_wait3A_166 = tpu.memref_slice %arg9[%run_scoped3A_120, %dma_wait3A_164, %dma_wait3A_165] : memref<2x80x128xf32, #tpu.memory_space<vmem>> -> memref<1x80x128xf32, #tpu.memory_space<vmem>>
        %dma_wait3A_167 = tpu.memref_squeeze %dma_wait3A_166 : memref<1x80x128xf32, #tpu.memory_space<vmem>> -> memref<80x128xf32, #tpu.memory_space<vmem>>
        %dma_wait3A_168 = arith.constant 0 : i32
        %dma_wait3A_169 = tpu.memref_slice %arg5[%add3A_119, %dma_wait3A_168] : memref<320000x128xf32, #tpu.memory_space<hbm>> -> memref<80x128xf32, #tpu.memory_space<hbm>>
        %dma_wait3A_170 = arith.constant 0 : i32
        %dma_wait3A_171 = tpu.memref_slice %arg5[%add3A_119, %dma_wait3A_170] : memref<320000x128xf32, #tpu.memory_space<hbm>> -> memref<80x128xf32, #tpu.memory_space<hbm>>
        %dma_wait3A_172 = arith.constant 0 : i32
        %dma_wait3A_173 = arith.constant 0 : i32
        %dma_wait3A_174 = tpu.memref_slice %arg9[%run_scoped3A_120, %dma_wait3A_172, %dma_wait3A_173] : memref<2x80x128xf32, #tpu.memory_space<vmem>> -> memref<1x80x128xf32, #tpu.memory_space<vmem>>
        %dma_wait3A_175 = tpu.memref_squeeze %dma_wait3A_174 : memref<1x80x128xf32, #tpu.memory_space<vmem>> -> memref<80x128xf32, #tpu.memory_space<vmem>>
        tpu.wait_dma2 semaphore(%run_scoped3A_151 : memref<!tpu.dma_semaphore, #tpu.memory_space<semaphore_mem>>) src(%dma_wait3A_175 : memref<80x128xf32, #tpu.memory_space<vmem>>) dst(%dma_wait3A_171 : memref<80x128xf32, #tpu.memory_space<hbm>>)
        tpu.yield
      }) : () -> ()
      %run_scoped3A_121 = arith.constant 0 : i32
      "tpu.region"() ({
        %run_scoped3A_151 = tpu.sem_alloc : memref<!tpu.dma_semaphore, #tpu.memory_space<semaphore_mem>>
        %dma_start3A_152 = arith.constant 0 : i32
        %dma_start3A_153 = arith.constant 0 : i32
        %dma_start3A_154 = tpu.memref_slice %arg10[%run_scoped3A_121, %dma_start3A_152, %dma_start3A_153] : memref<2x80x128xf32, #tpu.memory_space<vmem>> -> memref<1x80x128xf32, #tpu.memory_space<vmem>>
        %dma_start3A_155 = tpu.memref_squeeze %dma_start3A_154 : memref<1x80x128xf32, #tpu.memory_space<vmem>> -> memref<80x128xf32, #tpu.memory_space<vmem>>
        %dma_start3A_156 = arith.constant 0 : i32
        %dma_start3A_157 = tpu.memref_slice %arg6[%add3A_119, %dma_start3A_156] : memref<320000x128xf32, #tpu.memory_space<hbm>> -> memref<80x128xf32, #tpu.memory_space<hbm>>
        %dma_start3A_158 = arith.constant 0 : i32
        %dma_start3A_159 = tpu.memref_slice %arg6[%add3A_119, %dma_start3A_158] : memref<320000x128xf32, #tpu.memory_space<hbm>> -> memref<80x128xf32, #tpu.memory_space<hbm>>
        %dma_start3A_160 = arith.constant 0 : i32
        %dma_start3A_161 = arith.constant 0 : i32
        %dma_start3A_162 = tpu.memref_slice %arg10[%run_scoped3A_121, %dma_start3A_160, %dma_start3A_161] : memref<2x80x128xf32, #tpu.memory_space<vmem>> -> memref<1x80x128xf32, #tpu.memory_space<vmem>>
        %dma_start3A_163 = tpu.memref_squeeze %dma_start3A_162 : memref<1x80x128xf32, #tpu.memory_space<vmem>> -> memref<80x128xf32, #tpu.memory_space<vmem>>
        tpu.enqueue_dma source(%dma_start3A_163 : memref<80x128xf32, #tpu.memory_space<vmem>>) target(%dma_start3A_159 : memref<80x128xf32, #tpu.memory_space<hbm>>) target_semaphore(%run_scoped3A_151 : memref<!tpu.dma_semaphore, #tpu.memory_space<semaphore_mem>>)
        %dma_wait3A_164 = arith.constant 0 : i32
        %dma_wait3A_165 = arith.constant 0 : i32
        %dma_wait3A_166 = tpu.memref_slice %arg10[%run_scoped3A_121, %dma_wait3A_164, %dma_wait3A_165] : memref<2x80x128xf32, #tpu.memory_space<vmem>> -> memref<1x80x128xf32, #tpu.memory_space<vmem>>
        %dma_wait3A_167 = tpu.memref_squeeze %dma_wait3A_166 : memref<1x80x128xf32, #tpu.memory_space<vmem>> -> memref<80x128xf32, #tpu.memory_space<vmem>>
        %dma_wait3A_168 = arith.constant 0 : i32
        %dma_wait3A_169 = tpu.memref_slice %arg6[%add3A_119, %dma_wait3A_168] : memref<320000x128xf32, #tpu.memory_space<hbm>> -> memref<80x128xf32, #tpu.memory_space<hbm>>
        %dma_wait3A_170 = arith.constant 0 : i32
        %dma_wait3A_171 = tpu.memref_slice %arg6[%add3A_119, %dma_wait3A_170] : memref<320000x128xf32, #tpu.memory_space<hbm>> -> memref<80x128xf32, #tpu.memory_space<hbm>>
        %dma_wait3A_172 = arith.constant 0 : i32
        %dma_wait3A_173 = arith.constant 0 : i32
        %dma_wait3A_174 = tpu.memref_slice %arg10[%run_scoped3A_121, %dma_wait3A_172, %dma_wait3A_173] : memref<2x80x128xf32, #tpu.memory_space<vmem>> -> memref<1x80x128xf32, #tpu.memory_space<vmem>>
        %dma_wait3A_175 = tpu.memref_squeeze %dma_wait3A_174 : memref<1x80x128xf32, #tpu.memory_space<vmem>> -> memref<80x128xf32, #tpu.memory_space<vmem>>
        tpu.wait_dma2 semaphore(%run_scoped3A_151 : memref<!tpu.dma_semaphore, #tpu.memory_space<semaphore_mem>>) src(%dma_wait3A_175 : memref<80x128xf32, #tpu.memory_space<vmem>>) dst(%dma_wait3A_171 : memref<80x128xf32, #tpu.memory_space<hbm>>)
        tpu.yield
      }) : () -> ()
      %lt3A = arith.constant 61 : i32
      %lt3A_122 = arith.cmpi slt, %add3A_72, %lt3A : i32
      %convert_element_type3A = arith.extui %lt3A_122 : i1 to i32
      %cond3A = arith.constant 0 : i32
      %cond3A_123 = arith.cmpi ne, %convert_element_type3A, %cond3A : i32
      scf.if %cond3A_123 {
        %add3A_151 = arith.constant 2 : i32
        %add3A_152 = arith.addi %mul3A_74, %add3A_151 : i32
        %mul3A_153 = arith.constant 80 : i32
        %mul3A_154 = arith.muli %add3A_152, %mul3A_153 : i32
        %dma_start3A_155 = arith.constant 0 : i32
        %dma_start3A_156 = arith.constant 0 : i32
        %dma_start3A_157 = arith.constant 0 : i32
        %dma_start3A_158 = tpu.memref_slice %arg9[%dma_start3A_155, %dma_start3A_156, %dma_start3A_157] : memref<2x80x128xf32, #tpu.memory_space<vmem>> -> memref<1x80x128xf32, #tpu.memory_space<vmem>>
        %dma_start3A_159 = tpu.memref_squeeze %dma_start3A_158 : memref<1x80x128xf32, #tpu.memory_space<vmem>> -> memref<80x128xf32, #tpu.memory_space<vmem>>
        %dma_start3A_160 = tpu.memref_slice %arg7[%mul3A_154] : memref<10000xi32, #tpu.memory_space<vmem>> -> memref<80xi32, #tpu.memory_space<vmem>>
        %dma_start3A_161 = arith.constant 0 : i32
        %dma_start3A_162 = arith.constant 0 : i32
        %dma_start3A_163 = tpu.memref_slice %arg2[%dma_start3A_161, %dma_start3A_162] : memref<20000x128xf32, #tpu.memory_space<hbm>> -> memref<20000x128xf32, #tpu.memory_space<hbm>>
        tpu.enqueue_indirect_dma source(%dma_start3A_163 : memref<20000x128xf32, #tpu.memory_space<hbm>>) target(%dma_start3A_159 : memref<80x128xf32, #tpu.memory_space<vmem>>) offsets(%dma_start3A_160 : memref<80xi32, #tpu.memory_space<vmem>>) semaphore(%arg11 : memref<!tpu.dma_semaphore, #tpu.memory_space<semaphore_mem>>)
        %dma_start3A_164 = arith.constant 0 : i32
        %dma_start3A_165 = arith.constant 0 : i32
        %dma_start3A_166 = arith.constant 0 : i32
        %dma_start3A_167 = tpu.memref_slice %arg10[%dma_start3A_164, %dma_start3A_165, %dma_start3A_166] : memref<2x80x128xf32, #tpu.memory_space<vmem>> -> memref<1x80x128xf32, #tpu.memory_space<vmem>>
        %dma_start3A_168 = tpu.memref_squeeze %dma_start3A_167 : memref<1x80x128xf32, #tpu.memory_space<vmem>> -> memref<80x128xf32, #tpu.memory_space<vmem>>
        %dma_start3A_169 = tpu.memref_slice %arg8[%mul3A_154] : memref<10000xi32, #tpu.memory_space<vmem>> -> memref<80xi32, #tpu.memory_space<vmem>>
        %dma_start3A_170 = arith.constant 0 : i32
        %dma_start3A_171 = arith.constant 0 : i32
        %dma_start3A_172 = tpu.memref_slice %arg2[%dma_start3A_170, %dma_start3A_171] : memref<20000x128xf32, #tpu.memory_space<hbm>> -> memref<20000x128xf32, #tpu.memory_space<hbm>>
        tpu.enqueue_indirect_dma source(%dma_start3A_172 : memref<20000x128xf32, #tpu.memory_space<hbm>>) target(%dma_start3A_168 : memref<80x128xf32, #tpu.memory_space<vmem>>) offsets(%dma_start3A_169 : memref<80xi32, #tpu.memory_space<vmem>>) semaphore(%arg13 : memref<!tpu.dma_semaphore, #tpu.memory_space<semaphore_mem>>)
      } else {
      }
      %add3A_124 = arith.constant 1 : i32
      %add3A_125 = arith.addi %mul3A_74, %add3A_124 : i32
      %mul3A_126 = arith.constant 80 : i32
      %mul3A_127 = arith.muli %add3A_125, %mul3A_126 : i32
      %dma_wait3A_128 = arith.constant 1 : i32
      %dma_wait3A_129 = arith.constant 0 : i32
      %dma_wait3A_130 = arith.constant 0 : i32
      %dma_wait3A_131 = tpu.memref_slice %arg9[%dma_wait3A_128, %dma_wait3A_129, %dma_wait3A_130] : memref<2x80x128xf32, #tpu.memory_space<vmem>> -> memref<1x80x128xf32, #tpu.memory_space<vmem>>
      %dma_wait3A_132 = tpu.memref_squeeze %dma_wait3A_131 : memref<1x80x128xf32, #tpu.memory_space<vmem>> -> memref<80x128xf32, #tpu.memory_space<vmem>>
      %dma_wait3A_133 = tpu.memref_slice %arg7[%mul3A_127] : memref<10000xi32, #tpu.memory_space<vmem>> -> memref<80xi32, #tpu.memory_space<vmem>>
      %dma_wait3A_134 = arith.constant 0 : i32
      %dma_wait3A_135 = arith.constant 0 : i32
      %dma_wait3A_136 = tpu.memref_slice %arg2[%dma_wait3A_134, %dma_wait3A_135] : memref<20000x128xf32, #tpu.memory_space<hbm>> -> memref<20000x128xf32, #tpu.memory_space<hbm>>
      tpu.wait_indirect_dma semaphore(%arg12 : memref<!tpu.dma_semaphore, #tpu.memory_space<semaphore_mem>>) src(%dma_wait3A_136 : memref<20000x128xf32, #tpu.memory_space<hbm>>) dst(%dma_wait3A_132 : memref<80x128xf32, #tpu.memory_space<vmem>>)
      %dma_wait3A_137 = arith.constant 1 : i32
      %dma_wait3A_138 = arith.constant 0 : i32
      %dma_wait3A_139 = arith.constant 0 : i32
      %dma_wait3A_140 = tpu.memref_slice %arg10[%dma_wait3A_137, %dma_wait3A_138, %dma_wait3A_139] : memref<2x80x128xf32, #tpu.memory_space<vmem>> -> memref<1x80x128xf32, #tpu.memory_space<vmem>>
      %dma_wait3A_141 = tpu.memref_squeeze %dma_wait3A_140 : memref<1x80x128xf32, #tpu.memory_space<vmem>> -> memref<80x128xf32, #tpu.memory_space<vmem>>
      %dma_wait3A_142 = tpu.memref_slice %arg8[%mul3A_127] : memref<10000xi32, #tpu.memory_space<vmem>> -> memref<80xi32, #tpu.memory_space<vmem>>
      %dma_wait3A_143 = arith.constant 0 : i32
      %dma_wait3A_144 = arith.constant 0 : i32
      %dma_wait3A_145 = tpu.memref_slice %arg2[%dma_wait3A_143, %dma_wait3A_144] : memref<20000x128xf32, #tpu.memory_space<hbm>> -> memref<20000x128xf32, #tpu.memory_space<hbm>>
      tpu.wait_indirect_dma semaphore(%arg14 : memref<!tpu.dma_semaphore, #tpu.memory_space<semaphore_mem>>) src(%dma_wait3A_145 : memref<20000x128xf32, #tpu.memory_space<hbm>>) dst(%dma_wait3A_141 : memref<80x128xf32, #tpu.memory_space<vmem>>)
      %mul3A_146 = arith.constant 80 : i32
      %mul3A_147 = arith.muli %add3A_125, %mul3A_146 : i32
      %add3A_148 = arith.addi %mul3A_2, %mul3A_147 : i32
      %run_scoped3A_149 = arith.constant 1 : i32
      "tpu.region"() ({
        %run_scoped3A_151 = tpu.sem_alloc : memref<!tpu.dma_semaphore, #tpu.memory_space<semaphore_mem>>
        %dma_start3A_152 = arith.constant 0 : i32
        %dma_start3A_153 = arith.constant 0 : i32
        %dma_start3A_154 = tpu.memref_slice %arg9[%run_scoped3A_149, %dma_start3A_152, %dma_start3A_153] : memref<2x80x128xf32, #tpu.memory_space<vmem>> -> memref<1x80x128xf32, #tpu.memory_space<vmem>>
        %dma_start3A_155 = tpu.memref_squeeze %dma_start3A_154 : memref<1x80x128xf32, #tpu.memory_space<vmem>> -> memref<80x128xf32, #tpu.memory_space<vmem>>
        %dma_start3A_156 = arith.constant 0 : i32
        %dma_start3A_157 = tpu.memref_slice %arg5[%add3A_148, %dma_start3A_156] : memref<320000x128xf32, #tpu.memory_space<hbm>> -> memref<80x128xf32, #tpu.memory_space<hbm>>
        %dma_start3A_158 = arith.constant 0 : i32
        %dma_start3A_159 = tpu.memref_slice %arg5[%add3A_148, %dma_start3A_158] : memref<320000x128xf32, #tpu.memory_space<hbm>> -> memref<80x128xf32, #tpu.memory_space<hbm>>
        %dma_start3A_160 = arith.constant 0 : i32
        %dma_start3A_161 = arith.constant 0 : i32
        %dma_start3A_162 = tpu.memref_slice %arg9[%run_scoped3A_149, %dma_start3A_160, %dma_start3A_161] : memref<2x80x128xf32, #tpu.memory_space<vmem>> -> memref<1x80x128xf32, #tpu.memory_space<vmem>>
        %dma_start3A_163 = tpu.memref_squeeze %dma_start3A_162 : memref<1x80x128xf32, #tpu.memory_space<vmem>> -> memref<80x128xf32, #tpu.memory_space<vmem>>
        tpu.enqueue_dma source(%dma_start3A_163 : memref<80x128xf32, #tpu.memory_space<vmem>>) target(%dma_start3A_159 : memref<80x128xf32, #tpu.memory_space<hbm>>) target_semaphore(%run_scoped3A_151 : memref<!tpu.dma_semaphore, #tpu.memory_space<semaphore_mem>>)
        %dma_wait3A_164 = arith.constant 0 : i32
        %dma_wait3A_165 = arith.constant 0 : i32
        %dma_wait3A_166 = tpu.memref_slice %arg9[%run_scoped3A_149, %dma_wait3A_164, %dma_wait3A_165] : memref<2x80x128xf32, #tpu.memory_space<vmem>> -> memref<1x80x128xf32, #tpu.memory_space<vmem>>
        %dma_wait3A_167 = tpu.memref_squeeze %dma_wait3A_166 : memref<1x80x128xf32, #tpu.memory_space<vmem>> -> memref<80x128xf32, #tpu.memory_space<vmem>>
        %dma_wait3A_168 = arith.constant 0 : i32
        %dma_wait3A_169 = tpu.memref_slice %arg5[%add3A_148, %dma_wait3A_168] : memref<320000x128xf32, #tpu.memory_space<hbm>> -> memref<80x128xf32, #tpu.memory_space<hbm>>
        %dma_wait3A_170 = arith.constant 0 : i32
        %dma_wait3A_171 = tpu.memref_slice %arg5[%add3A_148, %dma_wait3A_170] : memref<320000x128xf32, #tpu.memory_space<hbm>> -> memref<80x128xf32, #tpu.memory_space<hbm>>
        %dma_wait3A_172 = arith.constant 0 : i32
        %dma_wait3A_173 = arith.constant 0 : i32
        %dma_wait3A_174 = tpu.memref_slice %arg9[%run_scoped3A_149, %dma_wait3A_172, %dma_wait3A_173] : memref<2x80x128xf32, #tpu.memory_space<vmem>> -> memref<1x80x128xf32, #tpu.memory_space<vmem>>
        %dma_wait3A_175 = tpu.memref_squeeze %dma_wait3A_174 : memref<1x80x128xf32, #tpu.memory_space<vmem>> -> memref<80x128xf32, #tpu.memory_space<vmem>>
        tpu.wait_dma2 semaphore(%run_scoped3A_151 : memref<!tpu.dma_semaphore, #tpu.memory_space<semaphore_mem>>) src(%dma_wait3A_175 : memref<80x128xf32, #tpu.memory_space<vmem>>) dst(%dma_wait3A_171 : memref<80x128xf32, #tpu.memory_space<hbm>>)
        tpu.yield
      }) : () -> ()
      %run_scoped3A_150 = arith.constant 1 : i32
      "tpu.region"() ({
        %run_scoped3A_151 = tpu.sem_alloc : memref<!tpu.dma_semaphore, #tpu.memory_space<semaphore_mem>>
        %dma_start3A_152 = arith.constant 0 : i32
        %dma_start3A_153 = arith.constant 0 : i32
        %dma_start3A_154 = tpu.memref_slice %arg10[%run_scoped3A_150, %dma_start3A_152, %dma_start3A_153] : memref<2x80x128xf32, #tpu.memory_space<vmem>> -> memref<1x80x128xf32, #tpu.memory_space<vmem>>
        %dma_start3A_155 = tpu.memref_squeeze %dma_start3A_154 : memref<1x80x128xf32, #tpu.memory_space<vmem>> -> memref<80x128xf32, #tpu.memory_space<vmem>>
        %dma_start3A_156 = arith.constant 0 : i32
        %dma_start3A_157 = tpu.memref_slice %arg6[%add3A_148, %dma_start3A_156] : memref<320000x128xf32, #tpu.memory_space<hbm>> -> memref<80x128xf32, #tpu.memory_space<hbm>>
        %dma_start3A_158 = arith.constant 0 : i32
        %dma_start3A_159 = tpu.memref_slice %arg6[%add3A_148, %dma_start3A_158] : memref<320000x128xf32, #tpu.memory_space<hbm>> -> memref<80x128xf32, #tpu.memory_space<hbm>>
        %dma_start3A_160 = arith.constant 0 : i32
        %dma_start3A_161 = arith.constant 0 : i32
        %dma_start3A_162 = tpu.memref_slice %arg10[%run_scoped3A_150, %dma_start3A_160, %dma_start3A_161] : memref<2x80x128xf32, #tpu.memory_space<vmem>> -> memref<1x80x128xf32, #tpu.memory_space<vmem>>
        %dma_start3A_163 = tpu.memref_squeeze %dma_start3A_162 : memref<1x80x128xf32, #tpu.memory_space<vmem>> -> memref<80x128xf32, #tpu.memory_space<vmem>>
        tpu.enqueue_dma source(%dma_start3A_163 : memref<80x128xf32, #tpu.memory_space<vmem>>) target(%dma_start3A_159 : memref<80x128xf32, #tpu.memory_space<hbm>>) target_semaphore(%run_scoped3A_151 : memref<!tpu.dma_semaphore, #tpu.memory_space<semaphore_mem>>)
        %dma_wait3A_164 = arith.constant 0 : i32
        %dma_wait3A_165 = arith.constant 0 : i32
        %dma_wait3A_166 = tpu.memref_slice %arg10[%run_scoped3A_150, %dma_wait3A_164, %dma_wait3A_165] : memref<2x80x128xf32, #tpu.memory_space<vmem>> -> memref<1x80x128xf32, #tpu.memory_space<vmem>>
        %dma_wait3A_167 = tpu.memref_squeeze %dma_wait3A_166 : memref<1x80x128xf32, #tpu.memory_space<vmem>> -> memref<80x128xf32, #tpu.memory_space<vmem>>
        %dma_wait3A_168 = arith.constant 0 : i32
        %dma_wait3A_169 = tpu.memref_slice %arg6[%add3A_148, %dma_wait3A_168] : memref<320000x128xf32, #tpu.memory_space<hbm>> -> memref<80x128xf32, #tpu.memory_space<hbm>>
        %dma_wait3A_170 = arith.constant 0 : i32
        %dma_wait3A_171 = tpu.memref_slice %arg6[%add3A_148, %dma_wait3A_170] : memref<320000x128xf32, #tpu.memory_space<hbm>> -> memref<80x128xf32, #tpu.memory_space<hbm>>
        %dma_wait3A_172 = arith.constant 0 : i32
        %dma_wait3A_173 = arith.constant 0 : i32
        %dma_wait3A_174 = tpu.memref_slice %arg10[%run_scoped3A_150, %dma_wait3A_172, %dma_wait3A_173] : memref<2x80x128xf32, #tpu.memory_space<vmem>> -> memref<1x80x128xf32, #tpu.memory_space<vmem>>
        %dma_wait3A_175 = tpu.memref_squeeze %dma_wait3A_174 : memref<1x80x128xf32, #tpu.memory_space<vmem>> -> memref<80x128xf32, #tpu.memory_space<vmem>>
        tpu.wait_dma2 semaphore(%run_scoped3A_151 : memref<!tpu.dma_semaphore, #tpu.memory_space<semaphore_mem>>) src(%dma_wait3A_175 : memref<80x128xf32, #tpu.memory_space<vmem>>) dst(%dma_wait3A_171 : memref<80x128xf32, #tpu.memory_space<hbm>>)
        tpu.yield
      }) : () -> ()
    }
    %scan3A_25 = arith.constant 62 : i32
    %dma_start3A_26 = arith.constant 0 : i32
    %dma_start3A_27 = arith.constant 0 : i32
    %dma_start3A_28 = arith.constant 0 : i32
    %dma_start3A_29 = tpu.memref_slice %arg9[%dma_start3A_26, %dma_start3A_27, %dma_start3A_28] : memref<2x80x128xf32, #tpu.memory_space<vmem>> -> memref<1x80x128xf32, #tpu.memory_space<vmem>>
    %dma_start3A_30 = tpu.memref_squeeze %dma_start3A_29 : memref<1x80x128xf32, #tpu.memory_space<vmem>> -> memref<80x128xf32, #tpu.memory_space<vmem>>
    %dma_start3A_31 = arith.constant 9920 : i32
    %dma_start3A_32 = tpu.memref_slice %arg7[%dma_start3A_31] : memref<10000xi32, #tpu.memory_space<vmem>> -> memref<80xi32, #tpu.memory_space<vmem>>
    %dma_start3A_33 = arith.constant 0 : i32
    %dma_start3A_34 = arith.constant 0 : i32
    %dma_start3A_35 = tpu.memref_slice %arg2[%dma_start3A_33, %dma_start3A_34] : memref<20000x128xf32, #tpu.memory_space<hbm>> -> memref<20000x128xf32, #tpu.memory_space<hbm>>
    tpu.enqueue_indirect_dma source(%dma_start3A_35 : memref<20000x128xf32, #tpu.memory_space<hbm>>) target(%dma_start3A_30 : memref<80x128xf32, #tpu.memory_space<vmem>>) offsets(%dma_start3A_32 : memref<80xi32, #tpu.memory_space<vmem>>) semaphore(%arg11 : memref<!tpu.dma_semaphore, #tpu.memory_space<semaphore_mem>>)
    %dma_start3A_36 = arith.constant 0 : i32
    %dma_start3A_37 = arith.constant 0 : i32
    %dma_start3A_38 = arith.constant 0 : i32
    %dma_start3A_39 = tpu.memref_slice %arg10[%dma_start3A_36, %dma_start3A_37, %dma_start3A_38] : memref<2x80x128xf32, #tpu.memory_space<vmem>> -> memref<1x80x128xf32, #tpu.memory_space<vmem>>
    %dma_start3A_40 = tpu.memref_squeeze %dma_start3A_39 : memref<1x80x128xf32, #tpu.memory_space<vmem>> -> memref<80x128xf32, #tpu.memory_space<vmem>>
    %dma_start3A_41 = arith.constant 9920 : i32
    %dma_start3A_42 = tpu.memref_slice %arg8[%dma_start3A_41] : memref<10000xi32, #tpu.memory_space<vmem>> -> memref<80xi32, #tpu.memory_space<vmem>>
    %dma_start3A_43 = arith.constant 0 : i32
    %dma_start3A_44 = arith.constant 0 : i32
    %dma_start3A_45 = tpu.memref_slice %arg2[%dma_start3A_43, %dma_start3A_44] : memref<20000x128xf32, #tpu.memory_space<hbm>> -> memref<20000x128xf32, #tpu.memory_space<hbm>>
    tpu.enqueue_indirect_dma source(%dma_start3A_45 : memref<20000x128xf32, #tpu.memory_space<hbm>>) target(%dma_start3A_40 : memref<80x128xf32, #tpu.memory_space<vmem>>) offsets(%dma_start3A_42 : memref<80xi32, #tpu.memory_space<vmem>>) semaphore(%arg13 : memref<!tpu.dma_semaphore, #tpu.memory_space<semaphore_mem>>)
    %dma_wait3A = arith.constant 0 : i32
    %dma_wait3A_46 = arith.constant 0 : i32
    %dma_wait3A_47 = arith.constant 0 : i32
    %dma_wait3A_48 = tpu.memref_slice %arg9[%dma_wait3A, %dma_wait3A_46, %dma_wait3A_47] : memref<2x80x128xf32, #tpu.memory_space<vmem>> -> memref<1x80x128xf32, #tpu.memory_space<vmem>>
    %dma_wait3A_49 = tpu.memref_squeeze %dma_wait3A_48 : memref<1x80x128xf32, #tpu.memory_space<vmem>> -> memref<80x128xf32, #tpu.memory_space<vmem>>
    %dma_wait3A_50 = arith.constant 9920 : i32
    %dma_wait3A_51 = tpu.memref_slice %arg7[%dma_wait3A_50] : memref<10000xi32, #tpu.memory_space<vmem>> -> memref<80xi32, #tpu.memory_space<vmem>>
    %dma_wait3A_52 = arith.constant 0 : i32
    %dma_wait3A_53 = arith.constant 0 : i32
    %dma_wait3A_54 = tpu.memref_slice %arg2[%dma_wait3A_52, %dma_wait3A_53] : memref<20000x128xf32, #tpu.memory_space<hbm>> -> memref<20000x128xf32, #tpu.memory_space<hbm>>
    tpu.wait_indirect_dma semaphore(%arg11 : memref<!tpu.dma_semaphore, #tpu.memory_space<semaphore_mem>>) src(%dma_wait3A_54 : memref<20000x128xf32, #tpu.memory_space<hbm>>) dst(%dma_wait3A_49 : memref<80x128xf32, #tpu.memory_space<vmem>>)
    %dma_wait3A_55 = arith.constant 0 : i32
    %dma_wait3A_56 = arith.constant 0 : i32
    %dma_wait3A_57 = arith.constant 0 : i32
    %dma_wait3A_58 = tpu.memref_slice %arg10[%dma_wait3A_55, %dma_wait3A_56, %dma_wait3A_57] : memref<2x80x128xf32, #tpu.memory_space<vmem>> -> memref<1x80x128xf32, #tpu.memory_space<vmem>>
    %dma_wait3A_59 = tpu.memref_squeeze %dma_wait3A_58 : memref<1x80x128xf32, #tpu.memory_space<vmem>> -> memref<80x128xf32, #tpu.memory_space<vmem>>
    %dma_wait3A_60 = arith.constant 9920 : i32
    %dma_wait3A_61 = tpu.memref_slice %arg8[%dma_wait3A_60] : memref<10000xi32, #tpu.memory_space<vmem>> -> memref<80xi32, #tpu.memory_space<vmem>>
    %dma_wait3A_62 = arith.constant 0 : i32
    %dma_wait3A_63 = arith.constant 0 : i32
    %dma_wait3A_64 = tpu.memref_slice %arg2[%dma_wait3A_62, %dma_wait3A_63] : memref<20000x128xf32, #tpu.memory_space<hbm>> -> memref<20000x128xf32, #tpu.memory_space<hbm>>
    tpu.wait_indirect_dma semaphore(%arg13 : memref<!tpu.dma_semaphore, #tpu.memory_space<semaphore_mem>>) src(%dma_wait3A_64 : memref<20000x128xf32, #tpu.memory_space<hbm>>) dst(%dma_wait3A_59 : memref<80x128xf32, #tpu.memory_space<vmem>>)
    %add3A_65 = arith.constant 9920 : i32
    %add3A_66 = arith.addi %mul3A_2, %add3A_65 : i32
    %run_scoped3A = arith.constant 0 : i32
    "tpu.region"() ({
      %run_scoped3A_68 = tpu.sem_alloc : memref<!tpu.dma_semaphore, #tpu.memory_space<semaphore_mem>>
      %dma_start3A_69 = arith.constant 0 : i32
      %dma_start3A_70 = arith.constant 0 : i32
      %dma_start3A_71 = tpu.memref_slice %arg9[%run_scoped3A, %dma_start3A_69, %dma_start3A_70] : memref<2x80x128xf32, #tpu.memory_space<vmem>> -> memref<1x80x128xf32, #tpu.memory_space<vmem>>
      %dma_start3A_72 = tpu.memref_squeeze %dma_start3A_71 : memref<1x80x128xf32, #tpu.memory_space<vmem>> -> memref<80x128xf32, #tpu.memory_space<vmem>>
      %dma_start3A_73 = arith.constant 0 : i32
      %dma_start3A_74 = tpu.memref_slice %arg5[%add3A_66, %dma_start3A_73] : memref<320000x128xf32, #tpu.memory_space<hbm>> -> memref<80x128xf32, #tpu.memory_space<hbm>>
      %dma_start3A_75 = arith.constant 0 : i32
      %dma_start3A_76 = tpu.memref_slice %arg5[%add3A_66, %dma_start3A_75] : memref<320000x128xf32, #tpu.memory_space<hbm>> -> memref<80x128xf32, #tpu.memory_space<hbm>>
      %dma_start3A_77 = arith.constant 0 : i32
      %dma_start3A_78 = arith.constant 0 : i32
      %dma_start3A_79 = tpu.memref_slice %arg9[%run_scoped3A, %dma_start3A_77, %dma_start3A_78] : memref<2x80x128xf32, #tpu.memory_space<vmem>> -> memref<1x80x128xf32, #tpu.memory_space<vmem>>
      %dma_start3A_80 = tpu.memref_squeeze %dma_start3A_79 : memref<1x80x128xf32, #tpu.memory_space<vmem>> -> memref<80x128xf32, #tpu.memory_space<vmem>>
      tpu.enqueue_dma source(%dma_start3A_80 : memref<80x128xf32, #tpu.memory_space<vmem>>) target(%dma_start3A_76 : memref<80x128xf32, #tpu.memory_space<hbm>>) target_semaphore(%run_scoped3A_68 : memref<!tpu.dma_semaphore, #tpu.memory_space<semaphore_mem>>)
      %dma_wait3A_81 = arith.constant 0 : i32
      %dma_wait3A_82 = arith.constant 0 : i32
      %dma_wait3A_83 = tpu.memref_slice %arg9[%run_scoped3A, %dma_wait3A_81, %dma_wait3A_82] : memref<2x80x128xf32, #tpu.memory_space<vmem>> -> memref<1x80x128xf32, #tpu.memory_space<vmem>>
      %dma_wait3A_84 = tpu.memref_squeeze %dma_wait3A_83 : memref<1x80x128xf32, #tpu.memory_space<vmem>> -> memref<80x128xf32, #tpu.memory_space<vmem>>
      %dma_wait3A_85 = arith.constant 0 : i32
      %dma_wait3A_86 = tpu.memref_slice %arg5[%add3A_66, %dma_wait3A_85] : memref<320000x128xf32, #tpu.memory_space<hbm>> -> memref<80x128xf32, #tpu.memory_space<hbm>>
      %dma_wait3A_87 = arith.constant 0 : i32
      %dma_wait3A_88 = tpu.memref_slice %arg5[%add3A_66, %dma_wait3A_87] : memref<320000x128xf32, #tpu.memory_space<hbm>> -> memref<80x128xf32, #tpu.memory_space<hbm>>
      %dma_wait3A_89 = arith.constant 0 : i32
      %dma_wait3A_90 = arith.constant 0 : i32
      %dma_wait3A_91 = tpu.memref_slice %arg9[%run_scoped3A, %dma_wait3A_89, %dma_wait3A_90] : memref<2x80x128xf32, #tpu.memory_space<vmem>> -> memref<1x80x128xf32, #tpu.memory_space<vmem>>
      %dma_wait3A_92 = tpu.memref_squeeze %dma_wait3A_91 : memref<1x80x128xf32, #tpu.memory_space<vmem>> -> memref<80x128xf32, #tpu.memory_space<vmem>>
      tpu.wait_dma2 semaphore(%run_scoped3A_68 : memref<!tpu.dma_semaphore, #tpu.memory_space<semaphore_mem>>) src(%dma_wait3A_92 : memref<80x128xf32, #tpu.memory_space<vmem>>) dst(%dma_wait3A_88 : memref<80x128xf32, #tpu.memory_space<hbm>>)
      tpu.yield
    }) : () -> ()
    %run_scoped3A_67 = arith.constant 0 : i32
    "tpu.region"() ({
      %run_scoped3A_68 = tpu.sem_alloc : memref<!tpu.dma_semaphore, #tpu.memory_space<semaphore_mem>>
      %dma_start3A_69 = arith.constant 0 : i32
      %dma_start3A_70 = arith.constant 0 : i32
      %dma_start3A_71 = tpu.memref_slice %arg10[%run_scoped3A_67, %dma_start3A_69, %dma_start3A_70] : memref<2x80x128xf32, #tpu.memory_space<vmem>> -> memref<1x80x128xf32, #tpu.memory_space<vmem>>
      %dma_start3A_72 = tpu.memref_squeeze %dma_start3A_71 : memref<1x80x128xf32, #tpu.memory_space<vmem>> -> memref<80x128xf32, #tpu.memory_space<vmem>>
      %dma_start3A_73 = arith.constant 0 : i32
      %dma_start3A_74 = tpu.memref_slice %arg6[%add3A_66, %dma_start3A_73] : memref<320000x128xf32, #tpu.memory_space<hbm>> -> memref<80x128xf32, #tpu.memory_space<hbm>>
      %dma_start3A_75 = arith.constant 0 : i32
      %dma_start3A_76 = tpu.memref_slice %arg6[%add3A_66, %dma_start3A_75] : memref<320000x128xf32, #tpu.memory_space<hbm>> -> memref<80x128xf32, #tpu.memory_space<hbm>>
      %dma_start3A_77 = arith.constant 0 : i32
      %dma_start3A_78 = arith.constant 0 : i32
      %dma_start3A_79 = tpu.memref_slice %arg10[%run_scoped3A_67, %dma_start3A_77, %dma_start3A_78] : memref<2x80x128xf32, #tpu.memory_space<vmem>> -> memref<1x80x128xf32, #tpu.memory_space<vmem>>
      %dma_start3A_80 = tpu.memref_squeeze %dma_start3A_79 : memref<1x80x128xf32, #tpu.memory_space<vmem>> -> memref<80x128xf32, #tpu.memory_space<vmem>>
      tpu.enqueue_dma source(%dma_start3A_80 : memref<80x128xf32, #tpu.memory_space<vmem>>) target(%dma_start3A_76 : memref<80x128xf32, #tpu.memory_space<hbm>>) target_semaphore(%run_scoped3A_68 : memref<!tpu.dma_semaphore, #tpu.memory_space<semaphore_mem>>)
      %dma_wait3A_81 = arith.constant 0 : i32
      %dma_wait3A_82 = arith.constant 0 : i32
      %dma_wait3A_83 = tpu.memref_slice %arg10[%run_scoped3A_67, %dma_wait3A_81, %dma_wait3A_82] : memref<2x80x128xf32, #tpu.memory_space<vmem>> -> memref<1x80x128xf32, #tpu.memory_space<vmem>>
      %dma_wait3A_84 = tpu.memref_squeeze %dma_wait3A_83 : memref<1x80x128xf32, #tpu.memory_space<vmem>> -> memref<80x128xf32, #tpu.memory_space<vmem>>
      %dma_wait3A_85 = arith.constant 0 : i32
      %dma_wait3A_86 = tpu.memref_slice %arg6[%add3A_66, %dma_wait3A_85] : memref<320000x128xf32, #tpu.memory_space<hbm>> -> memref<80x128xf32, #tpu.memory_space<hbm>>
      %dma_wait3A_87 = arith.constant 0 : i32
      %dma_wait3A_88 = tpu.memref_slice %arg6[%add3A_66, %dma_wait3A_87] : memref<320000x128xf32, #tpu.memory_space<hbm>> -> memref<80x128xf32, #tpu.memory_space<hbm>>
      %dma_wait3A_89 = arith.constant 0 : i32
      %dma_wait3A_90 = arith.constant 0 : i32
      %dma_wait3A_91 = tpu.memref_slice %arg10[%run_scoped3A_67, %dma_wait3A_89, %dma_wait3A_90] : memref<2x80x128xf32, #tpu.memory_space<vmem>> -> memref<1x80x128xf32, #tpu.memory_space<vmem>>
      %dma_wait3A_92 = tpu.memref_squeeze %dma_wait3A_91 : memref<1x80x128xf32, #tpu.memory_space<vmem>> -> memref<80x128xf32, #tpu.memory_space<vmem>>
      tpu.wait_dma2 semaphore(%run_scoped3A_68 : memref<!tpu.dma_semaphore, #tpu.memory_space<semaphore_mem>>) src(%dma_wait3A_92 : memref<80x128xf32, #tpu.memory_space<vmem>>) dst(%dma_wait3A_88 : memref<80x128xf32, #tpu.memory_space<hbm>>)
      tpu.yield
    }) : () -> ()
    return
  }
}

#map = affine_map<(d0, d1) -> (0)>
#map1 = affine_map<(d0, d1) -> (0, 0)>
#map2 = affine_map<(d0, d1) -> (0, 0, 0)>
module attributes {stable_mosaic.version = 14 : i64} {
  func.func @_count_kernel(%arg0: i32, %arg1: i32, %arg2: memref<320000xi32, #tpu.memory_space<hbm>>, %arg3: memref<80x128xf32, #tpu.memory_space<hbm>>, %arg4: memref<328x128xf32, #tpu.memory_space<hbm>>, %arg5: memref<2x5248x128xf32, #tpu.memory_space<hbm>>, %arg6: memref<20000xi32, #tpu.memory_space<vmem>>, %arg7: memref<250x80xi32, #tpu.memory_space<vmem>>, %arg8: memref<2x80x128xf32, #tpu.memory_space<vmem>>, %arg9: memref<5248x128xf32, #tpu.memory_space<vmem_shared>>, %arg10: memref<80x128xf32, #tpu.memory_space<vmem_shared>>, %arg11: memref<!tpu.dma_semaphore, #tpu.memory_space<semaphore_mem>>, %arg12: memref<!tpu.dma_semaphore, #tpu.memory_space<semaphore_mem>>) attributes {dimension_semantics = [#tpu.dimension_semantics<core_parallel>, #tpu.dimension_semantics<subcore_parallel>], iteration_bounds = array<i64: 2, 16>, scalar_prefetch = 0 : i64, scratch_operands = 7 : i64, tpu.core_type = #tpu.core_type<sc_vector_subcore>, window_params = [{transform_indices = #map}, {transform_indices = #map1}, {transform_indices = #map1}, {transform_indices = #map2}]} {
    %mul3A = arith.constant 328 : i32
    %mul3A_0 = arith.muli %arg1, %mul3A : i32
    "tpu.region"() ({
      %run_scoped3A = tpu.sem_alloc : memref<!tpu.dma_semaphore, #tpu.memory_space<semaphore_mem>>
      %dma_start3A_25 = arith.constant 0 : i32
      %dma_start3A_26 = tpu.memref_slice %arg9[%mul3A_0, %dma_start3A_25] : memref<5248x128xf32, #tpu.memory_space<vmem_shared>> -> memref<328x128xf32, #tpu.memory_space<vmem_shared>>
      tpu.enqueue_dma source(%arg4 : memref<328x128xf32, #tpu.memory_space<hbm>>) target(%dma_start3A_26 : memref<328x128xf32, #tpu.memory_space<vmem_shared>>) target_semaphore(%run_scoped3A : memref<!tpu.dma_semaphore, #tpu.memory_space<semaphore_mem>>)
      %dma_wait3A = arith.constant 0 : i32
      %dma_wait3A_27 = tpu.memref_slice %arg9[%mul3A_0, %dma_wait3A] : memref<5248x128xf32, #tpu.memory_space<vmem_shared>> -> memref<328x128xf32, #tpu.memory_space<vmem_shared>>
      tpu.wait_dma2 semaphore(%run_scoped3A : memref<!tpu.dma_semaphore, #tpu.memory_space<semaphore_mem>>) src(%arg4 : memref<328x128xf32, #tpu.memory_space<hbm>>) dst(%dma_wait3A_27 : memref<328x128xf32, #tpu.memory_space<vmem_shared>>)
      tpu.yield
    }) : () -> ()
    %eq3A = arith.constant 0 : i32
    %eq3A_1 = arith.cmpi eq, %arg1, %eq3A : i32
    %convert_element_type3A = arith.extui %eq3A_1 : i1 to i32
    %cond3A = arith.constant 0 : i32
    %cond3A_2 = arith.cmpi ne, %convert_element_type3A, %cond3A : i32
    scf.if %cond3A_2 {
      "tpu.region"() ({
        %run_scoped3A = tpu.sem_alloc : memref<!tpu.dma_semaphore, #tpu.memory_space<semaphore_mem>>
        tpu.enqueue_dma source(%arg3 : memref<80x128xf32, #tpu.memory_space<hbm>>) target(%arg10 : memref<80x128xf32, #tpu.memory_space<vmem_shared>>) target_semaphore(%run_scoped3A : memref<!tpu.dma_semaphore, #tpu.memory_space<semaphore_mem>>)
        tpu.wait_dma2 semaphore(%run_scoped3A : memref<!tpu.dma_semaphore, #tpu.memory_space<semaphore_mem>>) src(%arg3 : memref<80x128xf32, #tpu.memory_space<hbm>>) dst(%arg10 : memref<80x128xf32, #tpu.memory_space<vmem_shared>>)
        tpu.yield
      }) : () -> ()
    } else {
    }
    %mul3A_3 = arith.constant 20000 : i32
    %mul3A_4 = arith.muli %arg1, %mul3A_3 : i32
    %mul3A_5 = arith.constant 5120 : i32
    %mul3A_6 = arith.muli %arg0, %mul3A_5 : i32
    "tpu.region"() ({
      %run_scoped3A = tpu.sem_alloc : memref<!tpu.dma_semaphore, #tpu.memory_space<semaphore_mem>>
      %dma_start3A_25 = tpu.memref_slice %arg2[%mul3A_4] : memref<320000xi32, #tpu.memory_space<hbm>> -> memref<20000xi32, #tpu.memory_space<hbm>>
      %dma_start3A_26 = tpu.memref_slice %arg2[%mul3A_4] : memref<320000xi32, #tpu.memory_space<hbm>> -> memref<20000xi32, #tpu.memory_space<hbm>>
      tpu.enqueue_dma source(%dma_start3A_26 : memref<20000xi32, #tpu.memory_space<hbm>>) target(%arg6 : memref<20000xi32, #tpu.memory_space<vmem>>) target_semaphore(%run_scoped3A : memref<!tpu.dma_semaphore, #tpu.memory_space<semaphore_mem>>)
      %dma_wait3A = tpu.memref_slice %arg2[%mul3A_4] : memref<320000xi32, #tpu.memory_space<hbm>> -> memref<20000xi32, #tpu.memory_space<hbm>>
      %dma_wait3A_27 = tpu.memref_slice %arg2[%mul3A_4] : memref<320000xi32, #tpu.memory_space<hbm>> -> memref<20000xi32, #tpu.memory_space<hbm>>
      tpu.wait_dma2 semaphore(%run_scoped3A : memref<!tpu.dma_semaphore, #tpu.memory_space<semaphore_mem>>) src(%dma_wait3A_27 : memref<20000xi32, #tpu.memory_space<hbm>>) dst(%arg6 : memref<20000xi32, #tpu.memory_space<vmem>>)
      tpu.yield
    }) : () -> ()
    %scan3A = arith.constant 0 : i32
    %scan3A_7 = arith.constant 250 : i32
    %scan3A_8 = arith.addi %scan3A, %scan3A_7 : i32
    %scan3A_9 = arith.constant 1 : i32
    scf.for %scan3A_25 = %scan3A to %scan3A_8 step %scan3A_9  : i32 {
      %mul3A_26 = arith.constant 1 : i32
      %mul3A_27 = arith.muli %scan3A_25, %mul3A_26 : i32
      %add3A = arith.constant 0 : i32
      %add3A_28 = arith.addi %add3A, %mul3A_27 : i32
      %scan3A_29 = arith.constant 0 : i32
      %scan3A_30 = arith.constant 5 : i32
      %scan3A_31 = arith.addi %scan3A_29, %scan3A_30 : i32
      %scan3A_32 = arith.constant 1 : i32
      scf.for %scan3A_34 = %scan3A_29 to %scan3A_31 step %scan3A_32  : i32 {
        %mul3A_35 = arith.constant 16 : i32
        %mul3A_36 = arith.muli %scan3A_34, %mul3A_35 : i32
        %add3A_37 = arith.constant 0 : i32
        %add3A_38 = arith.addi %add3A_37, %mul3A_36 : i32
        %mul3A_39 = arith.constant 80 : i32
        %mul3A_40 = arith.muli %add3A_28, %mul3A_39 : i32
        %add3A_41 = arith.addi %mul3A_40, %add3A_38 : i32
        %get3A = arith.index_cast %add3A_41 : i32 to index
        %get3A_42 = tpu.vector_load %arg6[%get3A] {strides = array<i32>} : memref<20000xi32, #tpu.memory_space<vmem>>, vector<16xi32>,
        %get3A_43 = vector.shape_cast %get3A_42 : vector<16xi32> to vector<16xi32>
        %sub3A = vector.broadcast %mul3A_6 : i32 to vector<16xi32>
        %sub3A_44 = arith.subi %get3A_43, %sub3A : vector<16xi32>
        %ge3A = arith.constant 0 : i32
        %ge3A_45 = vector.broadcast %ge3A : i32 to vector<16xi32>
        %ge3A_46 = arith.cmpi sge, %sub3A_44, %ge3A_45 : vector<16xi32>
        %lt3A = arith.constant 5120 : i32
        %lt3A_47 = vector.broadcast %lt3A : i32 to vector<16xi32>
        %lt3A_48 = arith.cmpi slt, %sub3A_44, %lt3A_47 : vector<16xi32>
        %and3A = arith.andi %ge3A_46, %lt3A_48 : vector<16xi1>
        %jit3A = arith.constant 5120 : i32
        %broadcast_in_dim3A = vector.broadcast %jit3A : i32 to vector<16xi32>
        %select_n3A = arith.select %and3A, %sub3A_44, %broadcast_in_dim3A : vector<16xi1>, vector<16xi32>
        %swap3A = arith.index_cast %add3A_28 : i32 to index
        %swap3A_49 = arith.index_cast %add3A_38 : i32 to index
        %swap3A_50 = tpu.vector_load %arg7[%swap3A, %swap3A_49] {strides = array<i32>} : memref<250x80xi32, #tpu.memory_space<vmem>>, vector<1x16xi32>,
        %swap3A_51 = vector.shape_cast %swap3A_50 : vector<1x16xi32> to vector<16xi32>
        %swap3A_52 = vector.shape_cast %select_n3A : vector<16xi32> to vector<1x16xi32>
        tpu.vector_store %arg7[%swap3A, %swap3A_49], %swap3A_52 {strides = array<i32>} : memref<250x80xi32, #tpu.memory_space<vmem>>, vector<1x16xi32>,
      }
      %scan3A_33 = arith.constant 5 : i32
    }
    %scan3A_10 = arith.constant 250 : i32
    %barrier3A = arith.constant 0 : index
    tpu.barrier barrier_id(%barrier3A)
    %dma_start3A = arith.constant 0 : i32
    %dma_start3A_11 = arith.constant 0 : i32
    %dma_start3A_12 = arith.constant 0 : i32
    %dma_start3A_13 = tpu.memref_slice %arg8[%dma_start3A, %dma_start3A_11, %dma_start3A_12] : memref<2x80x128xf32, #tpu.memory_space<vmem>> -> memref<1x80x128xf32, #tpu.memory_space<vmem>>
    %dma_start3A_14 = tpu.memref_squeeze %dma_start3A_13 : memref<1x80x128xf32, #tpu.memory_space<vmem>> -> memref<80x128xf32, #tpu.memory_space<vmem>>
    %dma_start3A_15 = arith.constant 0 : i32
    %dma_start3A_16 = arith.constant 0 : i32
    %dma_start3A_17 = tpu.memref_slice %arg8[%dma_start3A, %dma_start3A_15, %dma_start3A_16] : memref<2x80x128xf32, #tpu.memory_space<vmem>> -> memref<1x80x128xf32, #tpu.memory_space<vmem>>
    %dma_start3A_18 = tpu.memref_squeeze %dma_start3A_17 : memref<1x80x128xf32, #tpu.memory_space<vmem>> -> memref<80x128xf32, #tpu.memory_space<vmem>>
    tpu.enqueue_dma source(%arg10 : memref<80x128xf32, #tpu.memory_space<vmem_shared>>) target(%dma_start3A_18 : memref<80x128xf32, #tpu.memory_space<vmem>>) target_semaphore(%arg11 : memref<!tpu.dma_semaphore, #tpu.memory_space<semaphore_mem>>)
    %scan3A_19 = arith.constant 0 : i32
    %scan3A_20 = arith.constant 125 : i32
    %scan3A_21 = arith.addi %scan3A_19, %scan3A_20 : i32
    %scan3A_22 = arith.constant 1 : i32
    scf.for %scan3A_25 = %scan3A_19 to %scan3A_21 step %scan3A_22  : i32 {
      %mul3A_26 = arith.constant 1 : i32
      %mul3A_27 = arith.muli %scan3A_25, %mul3A_26 : i32
      %add3A = arith.constant 0 : i32
      %add3A_28 = arith.addi %add3A, %mul3A_27 : i32
      %mul3A_29 = arith.constant 2 : i32
      %mul3A_30 = arith.muli %mul3A_29, %add3A_28 : i32
      %add3A_31 = arith.constant 1 : i32
      %add3A_32 = arith.addi %mul3A_30, %add3A_31 : i32
      %dma_start3A_33 = arith.constant 1 : i32
      %dma_start3A_34 = arith.constant 0 : i32
      %dma_start3A_35 = arith.constant 0 : i32
      %dma_start3A_36 = tpu.memref_slice %arg8[%dma_start3A_33, %dma_start3A_34, %dma_start3A_35] : memref<2x80x128xf32, #tpu.memory_space<vmem>> -> memref<1x80x128xf32, #tpu.memory_space<vmem>>
      %dma_start3A_37 = tpu.memref_squeeze %dma_start3A_36 : memref<1x80x128xf32, #tpu.memory_space<vmem>> -> memref<80x128xf32, #tpu.memory_space<vmem>>
      %dma_start3A_38 = arith.constant 0 : i32
      %dma_start3A_39 = arith.constant 0 : i32
      %dma_start3A_40 = tpu.memref_slice %arg8[%dma_start3A_33, %dma_start3A_38, %dma_start3A_39] : memref<2x80x128xf32, #tpu.memory_space<vmem>> -> memref<1x80x128xf32, #tpu.memory_space<vmem>>
      %dma_start3A_41 = tpu.memref_squeeze %dma_start3A_40 : memref<1x80x128xf32, #tpu.memory_space<vmem>> -> memref<80x128xf32, #tpu.memory_space<vmem>>
      tpu.enqueue_dma source(%arg10 : memref<80x128xf32, #tpu.memory_space<vmem_shared>>) target(%dma_start3A_41 : memref<80x128xf32, #tpu.memory_space<vmem>>) target_semaphore(%arg12 : memref<!tpu.dma_semaphore, #tpu.memory_space<semaphore_mem>>)
      %dma_wait3A = arith.constant 0 : i32
      %dma_wait3A_42 = arith.constant 0 : i32
      %dma_wait3A_43 = arith.constant 0 : i32
      %dma_wait3A_44 = tpu.memref_slice %arg8[%dma_wait3A, %dma_wait3A_42, %dma_wait3A_43] : memref<2x80x128xf32, #tpu.memory_space<vmem>> -> memref<1x80x128xf32, #tpu.memory_space<vmem>>
      %dma_wait3A_45 = tpu.memref_squeeze %dma_wait3A_44 : memref<1x80x128xf32, #tpu.memory_space<vmem>> -> memref<80x128xf32, #tpu.memory_space<vmem>>
      %dma_wait3A_46 = arith.constant 0 : i32
      %dma_wait3A_47 = arith.constant 0 : i32
      %dma_wait3A_48 = tpu.memref_slice %arg8[%dma_wait3A, %dma_wait3A_46, %dma_wait3A_47] : memref<2x80x128xf32, #tpu.memory_space<vmem>> -> memref<1x80x128xf32, #tpu.memory_space<vmem>>
      %dma_wait3A_49 = tpu.memref_squeeze %dma_wait3A_48 : memref<1x80x128xf32, #tpu.memory_space<vmem>> -> memref<80x128xf32, #tpu.memory_space<vmem>>
      tpu.wait_dma2 semaphore(%arg11 : memref<!tpu.dma_semaphore, #tpu.memory_space<semaphore_mem>>) src(%arg10 : memref<80x128xf32, #tpu.memory_space<vmem_shared>>) dst(%dma_wait3A_49 : memref<80x128xf32, #tpu.memory_space<vmem>>)
      %run_scoped3A = arith.constant 0 : i32
      "tpu.region"() ({
        %run_scoped3A_66 = tpu.sem_alloc : memref<!tpu.dma_semaphore, #tpu.memory_space<semaphore_mem>>
        %dma_start3A_67 = arith.constant 0 : i32
        %dma_start3A_68 = arith.constant 0 : i32
        %dma_start3A_69 = tpu.memref_slice %arg8[%run_scoped3A, %dma_start3A_67, %dma_start3A_68] : memref<2x80x128xf32, #tpu.memory_space<vmem>> -> memref<1x80x128xf32, #tpu.memory_space<vmem>>
        %dma_start3A_70 = tpu.memref_squeeze %dma_start3A_69 : memref<1x80x128xf32, #tpu.memory_space<vmem>> -> memref<80x128xf32, #tpu.memory_space<vmem>>
        %dma_start3A_71 = arith.constant 0 : i32
        %dma_start3A_72 = tpu.memref_slice %arg7[%mul3A_30, %dma_start3A_71] : memref<250x80xi32, #tpu.memory_space<vmem>> -> memref<1x80xi32, #tpu.memory_space<vmem>>
        %dma_start3A_73 = tpu.memref_squeeze %dma_start3A_72 : memref<1x80xi32, #tpu.memory_space<vmem>> -> memref<80xi32, #tpu.memory_space<vmem>>
        %dma_start3A_74 = arith.constant 0 : i32
        %dma_start3A_75 = arith.constant 0 : i32
        %dma_start3A_76 = tpu.memref_slice %arg9[%dma_start3A_74, %dma_start3A_75] : memref<5248x128xf32, #tpu.memory_space<vmem_shared>> -> memref<5248x128xf32, #tpu.memory_space<vmem_shared>>
        tpu.enqueue_indirect_dma source(%dma_start3A_70 : memref<80x128xf32, #tpu.memory_space<vmem>>) target(%dma_start3A_76 : memref<5248x128xf32, #tpu.memory_space<vmem_shared>>) offsets(%dma_start3A_73 : memref<80xi32, #tpu.memory_space<vmem>>) semaphore(%run_scoped3A_66 : memref<!tpu.dma_semaphore, #tpu.memory_space<semaphore_mem>>) {add = true}
        %dma_wait3A_77 = arith.constant 0 : i32
        %dma_wait3A_78 = arith.constant 0 : i32
        %dma_wait3A_79 = tpu.memref_slice %arg8[%run_scoped3A, %dma_wait3A_77, %dma_wait3A_78] : memref<2x80x128xf32, #tpu.memory_space<vmem>> -> memref<1x80x128xf32, #tpu.memory_space<vmem>>
        %dma_wait3A_80 = tpu.memref_squeeze %dma_wait3A_79 : memref<1x80x128xf32, #tpu.memory_space<vmem>> -> memref<80x128xf32, #tpu.memory_space<vmem>>
        %dma_wait3A_81 = arith.constant 0 : i32
        %dma_wait3A_82 = tpu.memref_slice %arg7[%mul3A_30, %dma_wait3A_81] : memref<250x80xi32, #tpu.memory_space<vmem>> -> memref<1x80xi32, #tpu.memory_space<vmem>>
        %dma_wait3A_83 = tpu.memref_squeeze %dma_wait3A_82 : memref<1x80xi32, #tpu.memory_space<vmem>> -> memref<80xi32, #tpu.memory_space<vmem>>
        %dma_wait3A_84 = arith.constant 0 : i32
        %dma_wait3A_85 = arith.constant 0 : i32
        %dma_wait3A_86 = tpu.memref_slice %arg9[%dma_wait3A_84, %dma_wait3A_85] : memref<5248x128xf32, #tpu.memory_space<vmem_shared>> -> memref<5248x128xf32, #tpu.memory_space<vmem_shared>>
        tpu.wait_indirect_dma semaphore(%run_scoped3A_66 : memref<!tpu.dma_semaphore, #tpu.memory_space<semaphore_mem>>) src(%dma_wait3A_80 : memref<80x128xf32, #tpu.memory_space<vmem>>) dst(%dma_wait3A_86 : memref<5248x128xf32, #tpu.memory_space<vmem_shared>>)
        tpu.yield
      }) : () -> ()
      %lt3A = arith.constant 124 : i32
      %lt3A_50 = arith.cmpi slt, %add3A_28, %lt3A : i32
      %convert_element_type3A_51 = arith.extui %lt3A_50 : i1 to i32
      %cond3A_52 = arith.constant 0 : i32
      %cond3A_53 = arith.cmpi ne, %convert_element_type3A_51, %cond3A_52 : i32
      scf.if %cond3A_53 {
        %add3A_66 = arith.constant 2 : i32
        %add3A_67 = arith.addi %mul3A_30, %add3A_66 : i32
        %dma_start3A_68 = arith.constant 0 : i32
        %dma_start3A_69 = arith.constant 0 : i32
        %dma_start3A_70 = arith.constant 0 : i32
        %dma_start3A_71 = tpu.memref_slice %arg8[%dma_start3A_68, %dma_start3A_69, %dma_start3A_70] : memref<2x80x128xf32, #tpu.memory_space<vmem>> -> memref<1x80x128xf32, #tpu.memory_space<vmem>>
        %dma_start3A_72 = tpu.memref_squeeze %dma_start3A_71 : memref<1x80x128xf32, #tpu.memory_space<vmem>> -> memref<80x128xf32, #tpu.memory_space<vmem>>
        %dma_start3A_73 = arith.constant 0 : i32
        %dma_start3A_74 = arith.constant 0 : i32
        %dma_start3A_75 = tpu.memref_slice %arg8[%dma_start3A_68, %dma_start3A_73, %dma_start3A_74] : memref<2x80x128xf32, #tpu.memory_space<vmem>> -> memref<1x80x128xf32, #tpu.memory_space<vmem>>
        %dma_start3A_76 = tpu.memref_squeeze %dma_start3A_75 : memref<1x80x128xf32, #tpu.memory_space<vmem>> -> memref<80x128xf32, #tpu.memory_space<vmem>>
        tpu.enqueue_dma source(%arg10 : memref<80x128xf32, #tpu.memory_space<vmem_shared>>) target(%dma_start3A_76 : memref<80x128xf32, #tpu.memory_space<vmem>>) target_semaphore(%arg11 : memref<!tpu.dma_semaphore, #tpu.memory_space<semaphore_mem>>)
      } else {
      }
      %add3A_54 = arith.constant 1 : i32
      %add3A_55 = arith.addi %mul3A_30, %add3A_54 : i32
      %dma_wait3A_56 = arith.constant 1 : i32
      %dma_wait3A_57 = arith.constant 0 : i32
      %dma_wait3A_58 = arith.constant 0 : i32
      %dma_wait3A_59 = tpu.memref_slice %arg8[%dma_wait3A_56, %dma_wait3A_57, %dma_wait3A_58] : memref<2x80x128xf32, #tpu.memory_space<vmem>> -> memref<1x80x128xf32, #tpu.memory_space<vmem>>
      %dma_wait3A_60 = tpu.memref_squeeze %dma_wait3A_59 : memref<1x80x128xf32, #tpu.memory_space<vmem>> -> memref<80x128xf32, #tpu.memory_space<vmem>>
      %dma_wait3A_61 = arith.constant 0 : i32
      %dma_wait3A_62 = arith.constant 0 : i32
      %dma_wait3A_63 = tpu.memref_slice %arg8[%dma_wait3A_56, %dma_wait3A_61, %dma_wait3A_62] : memref<2x80x128xf32, #tpu.memory_space<vmem>> -> memref<1x80x128xf32, #tpu.memory_space<vmem>>
      %dma_wait3A_64 = tpu.memref_squeeze %dma_wait3A_63 : memref<1x80x128xf32, #tpu.memory_space<vmem>> -> memref<80x128xf32, #tpu.memory_space<vmem>>
      tpu.wait_dma2 semaphore(%arg12 : memref<!tpu.dma_semaphore, #tpu.memory_space<semaphore_mem>>) src(%arg10 : memref<80x128xf32, #tpu.memory_space<vmem_shared>>) dst(%dma_wait3A_64 : memref<80x128xf32, #tpu.memory_space<vmem>>)
      %run_scoped3A_65 = arith.constant 1 : i32
      "tpu.region"() ({
        %run_scoped3A_66 = tpu.sem_alloc : memref<!tpu.dma_semaphore, #tpu.memory_space<semaphore_mem>>
        %dma_start3A_67 = arith.constant 0 : i32
        %dma_start3A_68 = arith.constant 0 : i32
        %dma_start3A_69 = tpu.memref_slice %arg8[%run_scoped3A_65, %dma_start3A_67, %dma_start3A_68] : memref<2x80x128xf32, #tpu.memory_space<vmem>> -> memref<1x80x128xf32, #tpu.memory_space<vmem>>
        %dma_start3A_70 = tpu.memref_squeeze %dma_start3A_69 : memref<1x80x128xf32, #tpu.memory_space<vmem>> -> memref<80x128xf32, #tpu.memory_space<vmem>>
        %dma_start3A_71 = arith.constant 0 : i32
        %dma_start3A_72 = tpu.memref_slice %arg7[%add3A_55, %dma_start3A_71] : memref<250x80xi32, #tpu.memory_space<vmem>> -> memref<1x80xi32, #tpu.memory_space<vmem>>
        %dma_start3A_73 = tpu.memref_squeeze %dma_start3A_72 : memref<1x80xi32, #tpu.memory_space<vmem>> -> memref<80xi32, #tpu.memory_space<vmem>>
        %dma_start3A_74 = arith.constant 0 : i32
        %dma_start3A_75 = arith.constant 0 : i32
        %dma_start3A_76 = tpu.memref_slice %arg9[%dma_start3A_74, %dma_start3A_75] : memref<5248x128xf32, #tpu.memory_space<vmem_shared>> -> memref<5248x128xf32, #tpu.memory_space<vmem_shared>>
        tpu.enqueue_indirect_dma source(%dma_start3A_70 : memref<80x128xf32, #tpu.memory_space<vmem>>) target(%dma_start3A_76 : memref<5248x128xf32, #tpu.memory_space<vmem_shared>>) offsets(%dma_start3A_73 : memref<80xi32, #tpu.memory_space<vmem>>) semaphore(%run_scoped3A_66 : memref<!tpu.dma_semaphore, #tpu.memory_space<semaphore_mem>>) {add = true}
        %dma_wait3A_77 = arith.constant 0 : i32
        %dma_wait3A_78 = arith.constant 0 : i32
        %dma_wait3A_79 = tpu.memref_slice %arg8[%run_scoped3A_65, %dma_wait3A_77, %dma_wait3A_78] : memref<2x80x128xf32, #tpu.memory_space<vmem>> -> memref<1x80x128xf32, #tpu.memory_space<vmem>>
        %dma_wait3A_80 = tpu.memref_squeeze %dma_wait3A_79 : memref<1x80x128xf32, #tpu.memory_space<vmem>> -> memref<80x128xf32, #tpu.memory_space<vmem>>
        %dma_wait3A_81 = arith.constant 0 : i32
        %dma_wait3A_82 = tpu.memref_slice %arg7[%add3A_55, %dma_wait3A_81] : memref<250x80xi32, #tpu.memory_space<vmem>> -> memref<1x80xi32, #tpu.memory_space<vmem>>
        %dma_wait3A_83 = tpu.memref_squeeze %dma_wait3A_82 : memref<1x80xi32, #tpu.memory_space<vmem>> -> memref<80xi32, #tpu.memory_space<vmem>>
        %dma_wait3A_84 = arith.constant 0 : i32
        %dma_wait3A_85 = arith.constant 0 : i32
        %dma_wait3A_86 = tpu.memref_slice %arg9[%dma_wait3A_84, %dma_wait3A_85] : memref<5248x128xf32, #tpu.memory_space<vmem_shared>> -> memref<5248x128xf32, #tpu.memory_space<vmem_shared>>
        tpu.wait_indirect_dma semaphore(%run_scoped3A_66 : memref<!tpu.dma_semaphore, #tpu.memory_space<semaphore_mem>>) src(%dma_wait3A_80 : memref<80x128xf32, #tpu.memory_space<vmem>>) dst(%dma_wait3A_86 : memref<5248x128xf32, #tpu.memory_space<vmem_shared>>)
        tpu.yield
      }) : () -> ()
    }
    %scan3A_23 = arith.constant 125 : i32
    %barrier3A_24 = arith.constant 0 : index
    tpu.barrier barrier_id(%barrier3A_24)
    "tpu.region"() ({
      %run_scoped3A = tpu.sem_alloc : memref<!tpu.dma_semaphore, #tpu.memory_space<semaphore_mem>>
      %dma_start3A_25 = arith.constant 0 : i32
      %dma_start3A_26 = tpu.memref_slice %arg5[%arg0, %mul3A_0, %dma_start3A_25] : memref<2x5248x128xf32, #tpu.memory_space<hbm>> -> memref<1x328x128xf32, #tpu.memory_space<hbm>>
      %dma_start3A_27 = tpu.memref_squeeze %dma_start3A_26 : memref<1x328x128xf32, #tpu.memory_space<hbm>> -> memref<328x128xf32, #tpu.memory_space<hbm>>
      %dma_start3A_28 = arith.constant 0 : i32
      %dma_start3A_29 = tpu.memref_slice %arg9[%mul3A_0, %dma_start3A_28] : memref<5248x128xf32, #tpu.memory_space<vmem_shared>> -> memref<328x128xf32, #tpu.memory_space<vmem_shared>>
      tpu.enqueue_dma source(%dma_start3A_29 : memref<328x128xf32, #tpu.memory_space<vmem_shared>>) target(%dma_start3A_27 : memref<328x128xf32, #tpu.memory_space<hbm>>) target_semaphore(%run_scoped3A : memref<!tpu.dma_semaphore, #tpu.memory_space<semaphore_mem>>)
      %dma_wait3A = arith.constant 0 : i32
      %dma_wait3A_30 = tpu.memref_slice %arg5[%arg0, %mul3A_0, %dma_wait3A] : memref<2x5248x128xf32, #tpu.memory_space<hbm>> -> memref<1x328x128xf32, #tpu.memory_space<hbm>>
      %dma_wait3A_31 = tpu.memref_squeeze %dma_wait3A_30 : memref<1x328x128xf32, #tpu.memory_space<hbm>> -> memref<328x128xf32, #tpu.memory_space<hbm>>
      %dma_wait3A_32 = arith.constant 0 : i32
      %dma_wait3A_33 = tpu.memref_slice %arg9[%mul3A_0, %dma_wait3A_32] : memref<5248x128xf32, #tpu.memory_space<vmem_shared>> -> memref<328x128xf32, #tpu.memory_space<vmem_shared>>
      tpu.wait_dma2 semaphore(%run_scoped3A : memref<!tpu.dma_semaphore, #tpu.memory_space<semaphore_mem>>) src(%dma_wait3A_33 : memref<328x128xf32, #tpu.memory_space<vmem_shared>>) dst(%dma_wait3A_31 : memref<328x128xf32, #tpu.memory_space<hbm>>)
      tpu.yield
    }) : () -> ()
    return
  }
}

#map = affine_map<(d0, d1) -> (0, 0)>
#map1 = affine_map<(d0, d1) -> (0)>
#map2 = affine_map<(d0, d1) -> (0, 0, 0)>
module attributes {stable_mosaic.version = 14 : i64} {
  func.func @_scatter_kernel(%arg0: i32, %arg1: i32, %arg2: memref<320000x128xf32, #tpu.memory_space<hbm>>, %arg3: memref<320000xi32, #tpu.memory_space<hbm>>, %arg4: memref<328x128xf32, #tpu.memory_space<hbm>>, %arg5: memref<2x5248x128xf32, #tpu.memory_space<hbm>>, %arg6: memref<20000xi32, #tpu.memory_space<vmem>>, %arg7: memref<250x80xi32, #tpu.memory_space<vmem>>, %arg8: memref<2x80x128xf32, #tpu.memory_space<vmem>>, %arg9: memref<5248x128xf32, #tpu.memory_space<vmem_shared>>, %arg10: memref<!tpu.dma_semaphore, #tpu.memory_space<semaphore_mem>>, %arg11: memref<!tpu.dma_semaphore, #tpu.memory_space<semaphore_mem>>) attributes {dimension_semantics = [#tpu.dimension_semantics<core_parallel>, #tpu.dimension_semantics<subcore_parallel>], iteration_bounds = array<i64: 2, 16>, scalar_prefetch = 0 : i64, scratch_operands = 6 : i64, tpu.core_type = #tpu.core_type<sc_vector_subcore>, window_params = [{transform_indices = #map}, {transform_indices = #map1}, {transform_indices = #map}, {transform_indices = #map2}]} {
    %mul3A = arith.constant 328 : i32
    %mul3A_0 = arith.muli %arg1, %mul3A : i32
    "tpu.region"() ({
      %run_scoped3A = tpu.sem_alloc : memref<!tpu.dma_semaphore, #tpu.memory_space<semaphore_mem>>
      %dma_start3A_28 = arith.constant 0 : i32
      %dma_start3A_29 = tpu.memref_slice %arg9[%mul3A_0, %dma_start3A_28] : memref<5248x128xf32, #tpu.memory_space<vmem_shared>> -> memref<328x128xf32, #tpu.memory_space<vmem_shared>>
      tpu.enqueue_dma source(%arg4 : memref<328x128xf32, #tpu.memory_space<hbm>>) target(%dma_start3A_29 : memref<328x128xf32, #tpu.memory_space<vmem_shared>>) target_semaphore(%run_scoped3A : memref<!tpu.dma_semaphore, #tpu.memory_space<semaphore_mem>>)
      %dma_wait3A = arith.constant 0 : i32
      %dma_wait3A_30 = tpu.memref_slice %arg9[%mul3A_0, %dma_wait3A] : memref<5248x128xf32, #tpu.memory_space<vmem_shared>> -> memref<328x128xf32, #tpu.memory_space<vmem_shared>>
      tpu.wait_dma2 semaphore(%run_scoped3A : memref<!tpu.dma_semaphore, #tpu.memory_space<semaphore_mem>>) src(%arg4 : memref<328x128xf32, #tpu.memory_space<hbm>>) dst(%dma_wait3A_30 : memref<328x128xf32, #tpu.memory_space<vmem_shared>>)
      tpu.yield
    }) : () -> ()
    %mul3A_1 = arith.constant 20000 : i32
    %mul3A_2 = arith.muli %arg1, %mul3A_1 : i32
    %mul3A_3 = arith.constant 5120 : i32
    %mul3A_4 = arith.muli %arg0, %mul3A_3 : i32
    "tpu.region"() ({
      %run_scoped3A = tpu.sem_alloc : memref<!tpu.dma_semaphore, #tpu.memory_space<semaphore_mem>>
      %dma_start3A_28 = tpu.memref_slice %arg3[%mul3A_2] : memref<320000xi32, #tpu.memory_space<hbm>> -> memref<20000xi32, #tpu.memory_space<hbm>>
      %dma_start3A_29 = tpu.memref_slice %arg3[%mul3A_2] : memref<320000xi32, #tpu.memory_space<hbm>> -> memref<20000xi32, #tpu.memory_space<hbm>>
      tpu.enqueue_dma source(%dma_start3A_29 : memref<20000xi32, #tpu.memory_space<hbm>>) target(%arg6 : memref<20000xi32, #tpu.memory_space<vmem>>) target_semaphore(%run_scoped3A : memref<!tpu.dma_semaphore, #tpu.memory_space<semaphore_mem>>)
      %dma_wait3A = tpu.memref_slice %arg3[%mul3A_2] : memref<320000xi32, #tpu.memory_space<hbm>> -> memref<20000xi32, #tpu.memory_space<hbm>>
      %dma_wait3A_30 = tpu.memref_slice %arg3[%mul3A_2] : memref<320000xi32, #tpu.memory_space<hbm>> -> memref<20000xi32, #tpu.memory_space<hbm>>
      tpu.wait_dma2 semaphore(%run_scoped3A : memref<!tpu.dma_semaphore, #tpu.memory_space<semaphore_mem>>) src(%dma_wait3A_30 : memref<20000xi32, #tpu.memory_space<hbm>>) dst(%arg6 : memref<20000xi32, #tpu.memory_space<vmem>>)
      tpu.yield
    }) : () -> ()
    %scan3A = arith.constant 0 : i32
    %scan3A_5 = arith.constant 250 : i32
    %scan3A_6 = arith.addi %scan3A, %scan3A_5 : i32
    %scan3A_7 = arith.constant 1 : i32
    scf.for %scan3A_28 = %scan3A to %scan3A_6 step %scan3A_7  : i32 {
      %mul3A_29 = arith.constant 1 : i32
      %mul3A_30 = arith.muli %scan3A_28, %mul3A_29 : i32
      %add3A_31 = arith.constant 0 : i32
      %add3A_32 = arith.addi %add3A_31, %mul3A_30 : i32
      %scan3A_33 = arith.constant 0 : i32
      %scan3A_34 = arith.constant 5 : i32
      %scan3A_35 = arith.addi %scan3A_33, %scan3A_34 : i32
      %scan3A_36 = arith.constant 1 : i32
      scf.for %scan3A_38 = %scan3A_33 to %scan3A_35 step %scan3A_36  : i32 {
        %mul3A_39 = arith.constant 16 : i32
        %mul3A_40 = arith.muli %scan3A_38, %mul3A_39 : i32
        %add3A_41 = arith.constant 0 : i32
        %add3A_42 = arith.addi %add3A_41, %mul3A_40 : i32
        %mul3A_43 = arith.constant 80 : i32
        %mul3A_44 = arith.muli %add3A_32, %mul3A_43 : i32
        %add3A_45 = arith.addi %mul3A_44, %add3A_42 : i32
        %get3A = arith.index_cast %add3A_45 : i32 to index
        %get3A_46 = tpu.vector_load %arg6[%get3A] {strides = array<i32>} : memref<20000xi32, #tpu.memory_space<vmem>>, vector<16xi32>,
        %get3A_47 = vector.shape_cast %get3A_46 : vector<16xi32> to vector<16xi32>
        %sub3A = vector.broadcast %mul3A_4 : i32 to vector<16xi32>
        %sub3A_48 = arith.subi %get3A_47, %sub3A : vector<16xi32>
        %ge3A = arith.constant 0 : i32
        %ge3A_49 = vector.broadcast %ge3A : i32 to vector<16xi32>
        %ge3A_50 = arith.cmpi sge, %sub3A_48, %ge3A_49 : vector<16xi32>
        %lt3A = arith.constant 5120 : i32
        %lt3A_51 = vector.broadcast %lt3A : i32 to vector<16xi32>
        %lt3A_52 = arith.cmpi slt, %sub3A_48, %lt3A_51 : vector<16xi32>
        %and3A = arith.andi %ge3A_50, %lt3A_52 : vector<16xi1>
        %jit3A = arith.constant 5120 : i32
        %broadcast_in_dim3A = vector.broadcast %jit3A : i32 to vector<16xi32>
        %select_n3A = arith.select %and3A, %sub3A_48, %broadcast_in_dim3A : vector<16xi1>, vector<16xi32>
        %swap3A = arith.index_cast %add3A_32 : i32 to index
        %swap3A_53 = arith.index_cast %add3A_42 : i32 to index
        %swap3A_54 = tpu.vector_load %arg7[%swap3A, %swap3A_53] {strides = array<i32>} : memref<250x80xi32, #tpu.memory_space<vmem>>, vector<1x16xi32>,
        %swap3A_55 = vector.shape_cast %swap3A_54 : vector<1x16xi32> to vector<16xi32>
        %swap3A_56 = vector.shape_cast %select_n3A : vector<16xi32> to vector<1x16xi32>
        tpu.vector_store %arg7[%swap3A, %swap3A_53], %swap3A_56 {strides = array<i32>} : memref<250x80xi32, #tpu.memory_space<vmem>>, vector<1x16xi32>,
      }
      %scan3A_37 = arith.constant 5 : i32
    }
    %scan3A_8 = arith.constant 250 : i32
    %barrier3A = arith.constant 0 : index
    tpu.barrier barrier_id(%barrier3A)
    %add3A = arith.constant 0 : i32
    %add3A_9 = arith.addi %mul3A_2, %add3A : i32
    %dma_start3A = arith.constant 0 : i32
    %dma_start3A_10 = arith.constant 0 : i32
    %dma_start3A_11 = arith.constant 0 : i32
    %dma_start3A_12 = tpu.memref_slice %arg8[%dma_start3A, %dma_start3A_10, %dma_start3A_11] : memref<2x80x128xf32, #tpu.memory_space<vmem>> -> memref<1x80x128xf32, #tpu.memory_space<vmem>>
    %dma_start3A_13 = tpu.memref_squeeze %dma_start3A_12 : memref<1x80x128xf32, #tpu.memory_space<vmem>> -> memref<80x128xf32, #tpu.memory_space<vmem>>
    %dma_start3A_14 = arith.constant 0 : i32
    %dma_start3A_15 = tpu.memref_slice %arg2[%add3A_9, %dma_start3A_14] : memref<320000x128xf32, #tpu.memory_space<hbm>> -> memref<80x128xf32, #tpu.memory_space<hbm>>
    %dma_start3A_16 = arith.constant 0 : i32
    %dma_start3A_17 = arith.constant 0 : i32
    %dma_start3A_18 = tpu.memref_slice %arg8[%dma_start3A, %dma_start3A_16, %dma_start3A_17] : memref<2x80x128xf32, #tpu.memory_space<vmem>> -> memref<1x80x128xf32, #tpu.memory_space<vmem>>
    %dma_start3A_19 = tpu.memref_squeeze %dma_start3A_18 : memref<1x80x128xf32, #tpu.memory_space<vmem>> -> memref<80x128xf32, #tpu.memory_space<vmem>>
    %dma_start3A_20 = arith.constant 0 : i32
    %dma_start3A_21 = tpu.memref_slice %arg2[%add3A_9, %dma_start3A_20] : memref<320000x128xf32, #tpu.memory_space<hbm>> -> memref<80x128xf32, #tpu.memory_space<hbm>>
    tpu.enqueue_dma source(%dma_start3A_21 : memref<80x128xf32, #tpu.memory_space<hbm>>) target(%dma_start3A_19 : memref<80x128xf32, #tpu.memory_space<vmem>>) target_semaphore(%arg10 : memref<!tpu.dma_semaphore, #tpu.memory_space<semaphore_mem>>)
    %scan3A_22 = arith.constant 0 : i32
    %scan3A_23 = arith.constant 125 : i32
    %scan3A_24 = arith.addi %scan3A_22, %scan3A_23 : i32
    %scan3A_25 = arith.constant 1 : i32
    scf.for %scan3A_28 = %scan3A_22 to %scan3A_24 step %scan3A_25  : i32 {
      %mul3A_29 = arith.constant 1 : i32
      %mul3A_30 = arith.muli %scan3A_28, %mul3A_29 : i32
      %add3A_31 = arith.constant 0 : i32
      %add3A_32 = arith.addi %add3A_31, %mul3A_30 : i32
      %mul3A_33 = arith.constant 2 : i32
      %mul3A_34 = arith.muli %mul3A_33, %add3A_32 : i32
      %add3A_35 = arith.constant 1 : i32
      %add3A_36 = arith.addi %mul3A_34, %add3A_35 : i32
      %mul3A_37 = arith.constant 80 : i32
      %mul3A_38 = arith.muli %add3A_36, %mul3A_37 : i32
      %add3A_39 = arith.addi %mul3A_2, %mul3A_38 : i32
      %dma_start3A_40 = arith.constant 1 : i32
      %dma_start3A_41 = arith.constant 0 : i32
      %dma_start3A_42 = arith.constant 0 : i32
      %dma_start3A_43 = tpu.memref_slice %arg8[%dma_start3A_40, %dma_start3A_41, %dma_start3A_42] : memref<2x80x128xf32, #tpu.memory_space<vmem>> -> memref<1x80x128xf32, #tpu.memory_space<vmem>>
      %dma_start3A_44 = tpu.memref_squeeze %dma_start3A_43 : memref<1x80x128xf32, #tpu.memory_space<vmem>> -> memref<80x128xf32, #tpu.memory_space<vmem>>
      %dma_start3A_45 = arith.constant 0 : i32
      %dma_start3A_46 = tpu.memref_slice %arg2[%add3A_39, %dma_start3A_45] : memref<320000x128xf32, #tpu.memory_space<hbm>> -> memref<80x128xf32, #tpu.memory_space<hbm>>
      %dma_start3A_47 = arith.constant 0 : i32
      %dma_start3A_48 = arith.constant 0 : i32
      %dma_start3A_49 = tpu.memref_slice %arg8[%dma_start3A_40, %dma_start3A_47, %dma_start3A_48] : memref<2x80x128xf32, #tpu.memory_space<vmem>> -> memref<1x80x128xf32, #tpu.memory_space<vmem>>
      %dma_start3A_50 = tpu.memref_squeeze %dma_start3A_49 : memref<1x80x128xf32, #tpu.memory_space<vmem>> -> memref<80x128xf32, #tpu.memory_space<vmem>>
      %dma_start3A_51 = arith.constant 0 : i32
      %dma_start3A_52 = tpu.memref_slice %arg2[%add3A_39, %dma_start3A_51] : memref<320000x128xf32, #tpu.memory_space<hbm>> -> memref<80x128xf32, #tpu.memory_space<hbm>>
      tpu.enqueue_dma source(%dma_start3A_52 : memref<80x128xf32, #tpu.memory_space<hbm>>) target(%dma_start3A_50 : memref<80x128xf32, #tpu.memory_space<vmem>>) target_semaphore(%arg11 : memref<!tpu.dma_semaphore, #tpu.memory_space<semaphore_mem>>)
      %mul3A_53 = arith.constant 80 : i32
      %mul3A_54 = arith.muli %mul3A_34, %mul3A_53 : i32
      %add3A_55 = arith.addi %mul3A_2, %mul3A_54 : i32
      %dma_wait3A = arith.constant 0 : i32
      %dma_wait3A_56 = arith.constant 0 : i32
      %dma_wait3A_57 = arith.constant 0 : i32
      %dma_wait3A_58 = tpu.memref_slice %arg8[%dma_wait3A, %dma_wait3A_56, %dma_wait3A_57] : memref<2x80x128xf32, #tpu.memory_space<vmem>> -> memref<1x80x128xf32, #tpu.memory_space<vmem>>
      %dma_wait3A_59 = tpu.memref_squeeze %dma_wait3A_58 : memref<1x80x128xf32, #tpu.memory_space<vmem>> -> memref<80x128xf32, #tpu.memory_space<vmem>>
      %dma_wait3A_60 = arith.constant 0 : i32
      %dma_wait3A_61 = tpu.memref_slice %arg2[%add3A_55, %dma_wait3A_60] : memref<320000x128xf32, #tpu.memory_space<hbm>> -> memref<80x128xf32, #tpu.memory_space<hbm>>
      %dma_wait3A_62 = arith.constant 0 : i32
      %dma_wait3A_63 = arith.constant 0 : i32
      %dma_wait3A_64 = tpu.memref_slice %arg8[%dma_wait3A, %dma_wait3A_62, %dma_wait3A_63] : memref<2x80x128xf32, #tpu.memory_space<vmem>> -> memref<1x80x128xf32, #tpu.memory_space<vmem>>
      %dma_wait3A_65 = tpu.memref_squeeze %dma_wait3A_64 : memref<1x80x128xf32, #tpu.memory_space<vmem>> -> memref<80x128xf32, #tpu.memory_space<vmem>>
      %dma_wait3A_66 = arith.constant 0 : i32
      %dma_wait3A_67 = tpu.memref_slice %arg2[%add3A_55, %dma_wait3A_66] : memref<320000x128xf32, #tpu.memory_space<hbm>> -> memref<80x128xf32, #tpu.memory_space<hbm>>
      tpu.wait_dma2 semaphore(%arg10 : memref<!tpu.dma_semaphore, #tpu.memory_space<semaphore_mem>>) src(%dma_wait3A_67 : memref<80x128xf32, #tpu.memory_space<hbm>>) dst(%dma_wait3A_65 : memref<80x128xf32, #tpu.memory_space<vmem>>)
      %run_scoped3A = arith.constant 0 : i32
      "tpu.region"() ({
        %run_scoped3A_89 = tpu.sem_alloc : memref<!tpu.dma_semaphore, #tpu.memory_space<semaphore_mem>>
        %dma_start3A_90 = arith.constant 0 : i32
        %dma_start3A_91 = arith.constant 0 : i32
        %dma_start3A_92 = tpu.memref_slice %arg8[%run_scoped3A, %dma_start3A_90, %dma_start3A_91] : memref<2x80x128xf32, #tpu.memory_space<vmem>> -> memref<1x80x128xf32, #tpu.memory_space<vmem>>
        %dma_start3A_93 = tpu.memref_squeeze %dma_start3A_92 : memref<1x80x128xf32, #tpu.memory_space<vmem>> -> memref<80x128xf32, #tpu.memory_space<vmem>>
        %dma_start3A_94 = arith.constant 0 : i32
        %dma_start3A_95 = tpu.memref_slice %arg7[%mul3A_34, %dma_start3A_94] : memref<250x80xi32, #tpu.memory_space<vmem>> -> memref<1x80xi32, #tpu.memory_space<vmem>>
        %dma_start3A_96 = tpu.memref_squeeze %dma_start3A_95 : memref<1x80xi32, #tpu.memory_space<vmem>> -> memref<80xi32, #tpu.memory_space<vmem>>
        %dma_start3A_97 = arith.constant 0 : i32
        %dma_start3A_98 = arith.constant 0 : i32
        %dma_start3A_99 = tpu.memref_slice %arg9[%dma_start3A_97, %dma_start3A_98] : memref<5248x128xf32, #tpu.memory_space<vmem_shared>> -> memref<5248x128xf32, #tpu.memory_space<vmem_shared>>
        tpu.enqueue_indirect_dma source(%dma_start3A_93 : memref<80x128xf32, #tpu.memory_space<vmem>>) target(%dma_start3A_99 : memref<5248x128xf32, #tpu.memory_space<vmem_shared>>) offsets(%dma_start3A_96 : memref<80xi32, #tpu.memory_space<vmem>>) semaphore(%run_scoped3A_89 : memref<!tpu.dma_semaphore, #tpu.memory_space<semaphore_mem>>) {add = true}
        %dma_wait3A_100 = arith.constant 0 : i32
        %dma_wait3A_101 = arith.constant 0 : i32
        %dma_wait3A_102 = tpu.memref_slice %arg8[%run_scoped3A, %dma_wait3A_100, %dma_wait3A_101] : memref<2x80x128xf32, #tpu.memory_space<vmem>> -> memref<1x80x128xf32, #tpu.memory_space<vmem>>
        %dma_wait3A_103 = tpu.memref_squeeze %dma_wait3A_102 : memref<1x80x128xf32, #tpu.memory_space<vmem>> -> memref<80x128xf32, #tpu.memory_space<vmem>>
        %dma_wait3A_104 = arith.constant 0 : i32
        %dma_wait3A_105 = tpu.memref_slice %arg7[%mul3A_34, %dma_wait3A_104] : memref<250x80xi32, #tpu.memory_space<vmem>> -> memref<1x80xi32, #tpu.memory_space<vmem>>
        %dma_wait3A_106 = tpu.memref_squeeze %dma_wait3A_105 : memref<1x80xi32, #tpu.memory_space<vmem>> -> memref<80xi32, #tpu.memory_space<vmem>>
        %dma_wait3A_107 = arith.constant 0 : i32
        %dma_wait3A_108 = arith.constant 0 : i32
        %dma_wait3A_109 = tpu.memref_slice %arg9[%dma_wait3A_107, %dma_wait3A_108] : memref<5248x128xf32, #tpu.memory_space<vmem_shared>> -> memref<5248x128xf32, #tpu.memory_space<vmem_shared>>
        tpu.wait_indirect_dma semaphore(%run_scoped3A_89 : memref<!tpu.dma_semaphore, #tpu.memory_space<semaphore_mem>>) src(%dma_wait3A_103 : memref<80x128xf32, #tpu.memory_space<vmem>>) dst(%dma_wait3A_109 : memref<5248x128xf32, #tpu.memory_space<vmem_shared>>)
        tpu.yield
      }) : () -> ()
      %lt3A = arith.constant 124 : i32
      %lt3A_68 = arith.cmpi slt, %add3A_32, %lt3A : i32
      %convert_element_type3A = arith.extui %lt3A_68 : i1 to i32
      %cond3A = arith.constant 0 : i32
      %cond3A_69 = arith.cmpi ne, %convert_element_type3A, %cond3A : i32
      scf.if %cond3A_69 {
        %add3A_89 = arith.constant 2 : i32
        %add3A_90 = arith.addi %mul3A_34, %add3A_89 : i32
        %mul3A_91 = arith.constant 80 : i32
        %mul3A_92 = arith.muli %add3A_90, %mul3A_91 : i32
        %add3A_93 = arith.addi %mul3A_2, %mul3A_92 : i32
        %dma_start3A_94 = arith.constant 0 : i32
        %dma_start3A_95 = arith.constant 0 : i32
        %dma_start3A_96 = arith.constant 0 : i32
        %dma_start3A_97 = tpu.memref_slice %arg8[%dma_start3A_94, %dma_start3A_95, %dma_start3A_96] : memref<2x80x128xf32, #tpu.memory_space<vmem>> -> memref<1x80x128xf32, #tpu.memory_space<vmem>>
        %dma_start3A_98 = tpu.memref_squeeze %dma_start3A_97 : memref<1x80x128xf32, #tpu.memory_space<vmem>> -> memref<80x128xf32, #tpu.memory_space<vmem>>
        %dma_start3A_99 = arith.constant 0 : i32
        %dma_start3A_100 = tpu.memref_slice %arg2[%add3A_93, %dma_start3A_99] : memref<320000x128xf32, #tpu.memory_space<hbm>> -> memref<80x128xf32, #tpu.memory_space<hbm>>
        %dma_start3A_101 = arith.constant 0 : i32
        %dma_start3A_102 = arith.constant 0 : i32
        %dma_start3A_103 = tpu.memref_slice %arg8[%dma_start3A_94, %dma_start3A_101, %dma_start3A_102] : memref<2x80x128xf32, #tpu.memory_space<vmem>> -> memref<1x80x128xf32, #tpu.memory_space<vmem>>
        %dma_start3A_104 = tpu.memref_squeeze %dma_start3A_103 : memref<1x80x128xf32, #tpu.memory_space<vmem>> -> memref<80x128xf32, #tpu.memory_space<vmem>>
        %dma_start3A_105 = arith.constant 0 : i32
        %dma_start3A_106 = tpu.memref_slice %arg2[%add3A_93, %dma_start3A_105] : memref<320000x128xf32, #tpu.memory_space<hbm>> -> memref<80x128xf32, #tpu.memory_space<hbm>>
        tpu.enqueue_dma source(%dma_start3A_106 : memref<80x128xf32, #tpu.memory_space<hbm>>) target(%dma_start3A_104 : memref<80x128xf32, #tpu.memory_space<vmem>>) target_semaphore(%arg10 : memref<!tpu.dma_semaphore, #tpu.memory_space<semaphore_mem>>)
      } else {
      }
      %add3A_70 = arith.constant 1 : i32
      %add3A_71 = arith.addi %mul3A_34, %add3A_70 : i32
      %mul3A_72 = arith.constant 80 : i32
      %mul3A_73 = arith.muli %add3A_71, %mul3A_72 : i32
      %add3A_74 = arith.addi %mul3A_2, %mul3A_73 : i32
      %dma_wait3A_75 = arith.constant 1 : i32
      %dma_wait3A_76 = arith.constant 0 : i32
      %dma_wait3A_77 = arith.constant 0 : i32
      %dma_wait3A_78 = tpu.memref_slice %arg8[%dma_wait3A_75, %dma_wait3A_76, %dma_wait3A_77] : memref<2x80x128xf32, #tpu.memory_space<vmem>> -> memref<1x80x128xf32, #tpu.memory_space<vmem>>
      %dma_wait3A_79 = tpu.memref_squeeze %dma_wait3A_78 : memref<1x80x128xf32, #tpu.memory_space<vmem>> -> memref<80x128xf32, #tpu.memory_space<vmem>>
      %dma_wait3A_80 = arith.constant 0 : i32
      %dma_wait3A_81 = tpu.memref_slice %arg2[%add3A_74, %dma_wait3A_80] : memref<320000x128xf32, #tpu.memory_space<hbm>> -> memref<80x128xf32, #tpu.memory_space<hbm>>
      %dma_wait3A_82 = arith.constant 0 : i32
      %dma_wait3A_83 = arith.constant 0 : i32
      %dma_wait3A_84 = tpu.memref_slice %arg8[%dma_wait3A_75, %dma_wait3A_82, %dma_wait3A_83] : memref<2x80x128xf32, #tpu.memory_space<vmem>> -> memref<1x80x128xf32, #tpu.memory_space<vmem>>
      %dma_wait3A_85 = tpu.memref_squeeze %dma_wait3A_84 : memref<1x80x128xf32, #tpu.memory_space<vmem>> -> memref<80x128xf32, #tpu.memory_space<vmem>>
      %dma_wait3A_86 = arith.constant 0 : i32
      %dma_wait3A_87 = tpu.memref_slice %arg2[%add3A_74, %dma_wait3A_86] : memref<320000x128xf32, #tpu.memory_space<hbm>> -> memref<80x128xf32, #tpu.memory_space<hbm>>
      tpu.wait_dma2 semaphore(%arg11 : memref<!tpu.dma_semaphore, #tpu.memory_space<semaphore_mem>>) src(%dma_wait3A_87 : memref<80x128xf32, #tpu.memory_space<hbm>>) dst(%dma_wait3A_85 : memref<80x128xf32, #tpu.memory_space<vmem>>)
      %run_scoped3A_88 = arith.constant 1 : i32
      "tpu.region"() ({
        %run_scoped3A_89 = tpu.sem_alloc : memref<!tpu.dma_semaphore, #tpu.memory_space<semaphore_mem>>
        %dma_start3A_90 = arith.constant 0 : i32
        %dma_start3A_91 = arith.constant 0 : i32
        %dma_start3A_92 = tpu.memref_slice %arg8[%run_scoped3A_88, %dma_start3A_90, %dma_start3A_91] : memref<2x80x128xf32, #tpu.memory_space<vmem>> -> memref<1x80x128xf32, #tpu.memory_space<vmem>>
        %dma_start3A_93 = tpu.memref_squeeze %dma_start3A_92 : memref<1x80x128xf32, #tpu.memory_space<vmem>> -> memref<80x128xf32, #tpu.memory_space<vmem>>
        %dma_start3A_94 = arith.constant 0 : i32
        %dma_start3A_95 = tpu.memref_slice %arg7[%add3A_71, %dma_start3A_94] : memref<250x80xi32, #tpu.memory_space<vmem>> -> memref<1x80xi32, #tpu.memory_space<vmem>>
        %dma_start3A_96 = tpu.memref_squeeze %dma_start3A_95 : memref<1x80xi32, #tpu.memory_space<vmem>> -> memref<80xi32, #tpu.memory_space<vmem>>
        %dma_start3A_97 = arith.constant 0 : i32
        %dma_start3A_98 = arith.constant 0 : i32
        %dma_start3A_99 = tpu.memref_slice %arg9[%dma_start3A_97, %dma_start3A_98] : memref<5248x128xf32, #tpu.memory_space<vmem_shared>> -> memref<5248x128xf32, #tpu.memory_space<vmem_shared>>
        tpu.enqueue_indirect_dma source(%dma_start3A_93 : memref<80x128xf32, #tpu.memory_space<vmem>>) target(%dma_start3A_99 : memref<5248x128xf32, #tpu.memory_space<vmem_shared>>) offsets(%dma_start3A_96 : memref<80xi32, #tpu.memory_space<vmem>>) semaphore(%run_scoped3A_89 : memref<!tpu.dma_semaphore, #tpu.memory_space<semaphore_mem>>) {add = true}
        %dma_wait3A_100 = arith.constant 0 : i32
        %dma_wait3A_101 = arith.constant 0 : i32
        %dma_wait3A_102 = tpu.memref_slice %arg8[%run_scoped3A_88, %dma_wait3A_100, %dma_wait3A_101] : memref<2x80x128xf32, #tpu.memory_space<vmem>> -> memref<1x80x128xf32, #tpu.memory_space<vmem>>
        %dma_wait3A_103 = tpu.memref_squeeze %dma_wait3A_102 : memref<1x80x128xf32, #tpu.memory_space<vmem>> -> memref<80x128xf32, #tpu.memory_space<vmem>>
        %dma_wait3A_104 = arith.constant 0 : i32
        %dma_wait3A_105 = tpu.memref_slice %arg7[%add3A_71, %dma_wait3A_104] : memref<250x80xi32, #tpu.memory_space<vmem>> -> memref<1x80xi32, #tpu.memory_space<vmem>>
        %dma_wait3A_106 = tpu.memref_squeeze %dma_wait3A_105 : memref<1x80xi32, #tpu.memory_space<vmem>> -> memref<80xi32, #tpu.memory_space<vmem>>
        %dma_wait3A_107 = arith.constant 0 : i32
        %dma_wait3A_108 = arith.constant 0 : i32
        %dma_wait3A_109 = tpu.memref_slice %arg9[%dma_wait3A_107, %dma_wait3A_108] : memref<5248x128xf32, #tpu.memory_space<vmem_shared>> -> memref<5248x128xf32, #tpu.memory_space<vmem_shared>>
        tpu.wait_indirect_dma semaphore(%run_scoped3A_89 : memref<!tpu.dma_semaphore, #tpu.memory_space<semaphore_mem>>) src(%dma_wait3A_103 : memref<80x128xf32, #tpu.memory_space<vmem>>) dst(%dma_wait3A_109 : memref<5248x128xf32, #tpu.memory_space<vmem_shared>>)
        tpu.yield
      }) : () -> ()
    }
    %scan3A_26 = arith.constant 125 : i32
    %barrier3A_27 = arith.constant 0 : index
    tpu.barrier barrier_id(%barrier3A_27)
    "tpu.region"() ({
      %run_scoped3A = tpu.sem_alloc : memref<!tpu.dma_semaphore, #tpu.memory_space<semaphore_mem>>
      %dma_start3A_28 = arith.constant 0 : i32
      %dma_start3A_29 = tpu.memref_slice %arg5[%arg0, %mul3A_0, %dma_start3A_28] : memref<2x5248x128xf32, #tpu.memory_space<hbm>> -> memref<1x328x128xf32, #tpu.memory_space<hbm>>
      %dma_start3A_30 = tpu.memref_squeeze %dma_start3A_29 : memref<1x328x128xf32, #tpu.memory_space<hbm>> -> memref<328x128xf32, #tpu.memory_space<hbm>>
      %dma_start3A_31 = arith.constant 0 : i32
      %dma_start3A_32 = tpu.memref_slice %arg9[%mul3A_0, %dma_start3A_31] : memref<5248x128xf32, #tpu.memory_space<vmem_shared>> -> memref<328x128xf32, #tpu.memory_space<vmem_shared>>
      tpu.enqueue_dma source(%dma_start3A_32 : memref<328x128xf32, #tpu.memory_space<vmem_shared>>) target(%dma_start3A_30 : memref<328x128xf32, #tpu.memory_space<hbm>>) target_semaphore(%run_scoped3A : memref<!tpu.dma_semaphore, #tpu.memory_space<semaphore_mem>>)
      %dma_wait3A = arith.constant 0 : i32
      %dma_wait3A_33 = tpu.memref_slice %arg5[%arg0, %mul3A_0, %dma_wait3A] : memref<2x5248x128xf32, #tpu.memory_space<hbm>> -> memref<1x328x128xf32, #tpu.memory_space<hbm>>
      %dma_wait3A_34 = tpu.memref_squeeze %dma_wait3A_33 : memref<1x328x128xf32, #tpu.memory_space<hbm>> -> memref<328x128xf32, #tpu.memory_space<hbm>>
      %dma_wait3A_35 = arith.constant 0 : i32
      %dma_wait3A_36 = tpu.memref_slice %arg9[%mul3A_0, %dma_wait3A_35] : memref<5248x128xf32, #tpu.memory_space<vmem_shared>> -> memref<328x128xf32, #tpu.memory_space<vmem_shared>>
      tpu.wait_dma2 semaphore(%run_scoped3A : memref<!tpu.dma_semaphore, #tpu.memory_space<semaphore_mem>>) src(%dma_wait3A_36 : memref<328x128xf32, #tpu.memory_space<vmem_shared>>) dst(%dma_wait3A_34 : memref<328x128xf32, #tpu.memory_space<hbm>>)
      tpu.yield
    }) : () -> ()
    return
  }
}

module attributes {stable_mosaic.version = 14 : i64} {
  func.func @_uv_kernel(%arg0: i32, %arg1: i32, %arg2: memref<1000x128xf32, #tpu.memory_space<vmem>>, %arg3: memref<128x128xf32, #tpu.memory_space<vmem>>, %arg4: memref<1000x128xf32, #tpu.memory_space<vmem>>) attributes {dimension_semantics = [#tpu.dimension_semantics<arbitrary>, #tpu.dimension_semantics<arbitrary>], iteration_bounds = array<i64: 2, 10>, scalar_prefetch = 0 : i64, scratch_operands = 0 : i64, tpu.core_type = #tpu.core_type<tc>, window_params = [{transform_indices = @transform_0, window_bounds = array<i64: 1000, 128>}, {transform_indices = @transform_1, window_bounds = array<i64: 128, 128>}, {transform_indices = @transform_2, window_bounds = array<i64: 1000, 128>}]} {
    %get3A = arith.constant 0 : index
    %get3A_0 = arith.constant 0 : index
    %get3A_1 = vector.load %arg2[%get3A, %get3A_0] : memref<1000x128xf32, #tpu.memory_space<vmem>>, vector<1000x128xf32>
    %get3A_2 = arith.constant 0 : index
    %get3A_3 = arith.constant 0 : index
    %get3A_4 = vector.load %arg3[%get3A_2, %get3A_3] : memref<128x128xf32, #tpu.memory_space<vmem>>, vector<128x128xf32>
    %dot_general3A = arith.constant dense<0.000000e+00> : vector<1000x128xf32>
    %dot_general3A_5 = tpu.matmul %get3A_1, %get3A_4, %dot_general3A {dimension_numbers = #tpu.dot_dimension_numbers<[1], [0], [0], [1], [0, 0, 1, 1], [], []>, transpose_lhs_hint = false} : vector<1000x128xf32>, vector<128x128xf32>, vector<1000x128xf32> -> vector<1000x128xf32>
    %swap3A = arith.constant 0 : index
    %swap3A_6 = arith.constant 0 : index
    %swap3A_7 = vector.load %arg4[%swap3A, %swap3A_6] : memref<1000x128xf32, #tpu.memory_space<vmem>>, vector<1000x128xf32>
    tpu.vector_store %arg4[%swap3A, %swap3A_6], %dot_general3A_5 {strides = array<i32>} : memref<1000x128xf32, #tpu.memory_space<vmem>>, vector<1000x128xf32>,
    return
  }
  func.func @transform_0(%arg0: i32, %arg1: i32) -> (i32, i32) {
    %c0_i32 = arith.constant 0 : i32
    %c0_i32_0 = arith.constant 0 : i32
    return %arg1, %c0_i32 : i32, i32
  }
  func.func @transform_1(%arg0: i32, %arg1: i32) -> (i32, i32) {
    %c0_i32 = arith.constant 0 : i32
    %c0_i32_0 = arith.constant 0 : i32
    return %arg0, %c0_i32 : i32, i32
  }
  func.func @transform_2(%arg0: i32, %arg1: i32) -> (i32, i32) {
    %mul3A = arith.constant 10 : i32
    %mul3A_0 = arith.muli %arg0, %mul3A : i32
    %add3A = arith.addi %mul3A_0, %arg1 : i32
    %c0_i32 = arith.constant 0 : i32
    %c0_i32_1 = arith.constant 0 : i32
    return %add3A, %c0_i32 : i32, i32
  }
}

module attributes {stable_mosaic.version = 14 : i64} {
  func.func @_stats1_kernel(%arg0: i32, %arg1: memref<4000x128xf32, #tpu.memory_space<vmem>>, %arg2: memref<4000x128xf32, #tpu.memory_space<vmem>>, %arg3: memref<2x128xf32, #tpu.memory_space<vmem>>, %arg4: memref<2x128xf32, #tpu.memory_space<vmem>>) attributes {dimension_semantics = [#tpu.dimension_semantics<arbitrary>], iteration_bounds = array<i64: 80>, scalar_prefetch = 0 : i64, scratch_operands = 1 : i64, tpu.core_type = #tpu.core_type<tc>, window_params = [{transform_indices = @transform_0, window_bounds = array<i64: 4000, 128>}, {transform_indices = @transform_1, window_bounds = array<i64: 4000, 128>}, {pipeline_mode = #tpu.pipeline_mode<synchronous>, transform_indices = @transform_2, window_bounds = array<i64: 2, 128>}]} {
    %eq3A = arith.constant 0 : i32
    %eq3A_0 = arith.cmpi eq, %arg0, %eq3A : i32
    %convert_element_type3A = arith.extui %eq3A_0 : i1 to i32
    %cond3A = arith.constant 0 : i32
    %cond3A_1 = arith.cmpi ne, %convert_element_type3A, %cond3A : i32
    scf.if %cond3A_1 {
      %broadcast_in_dim3A_29 = arith.constant 0.000000e+00 : f32
      %broadcast_in_dim3A_30 = vector.broadcast %broadcast_in_dim3A_29 : f32 to vector<2x128xf32>
      %swap3A_31 = arith.constant 0 : index
      %swap3A_32 = arith.constant 0 : index
      %swap3A_33 = vector.load %arg4[%swap3A_31, %swap3A_32] : memref<2x128xf32, #tpu.memory_space<vmem>>, vector<2x128xf32>
      tpu.vector_store %arg4[%swap3A_31, %swap3A_32], %broadcast_in_dim3A_30 {strides = array<i32>} : memref<2x128xf32, #tpu.memory_space<vmem>>, vector<2x128xf32>,
    } else {
    }
    %get3A = arith.constant 0 : index
    %get3A_2 = arith.constant 0 : index
    %get3A_3 = vector.load %arg1[%get3A, %get3A_2] : memref<4000x128xf32, #tpu.memory_space<vmem>>, vector<4000x128xf32>
    %get3A_4 = arith.constant 0 : index
    %get3A_5 = arith.constant 0 : index
    %get3A_6 = vector.load %arg2[%get3A_4, %get3A_5] : memref<4000x128xf32, #tpu.memory_space<vmem>>, vector<4000x128xf32>
    %add3A = arith.addf %get3A_3, %get3A_6 : vector<4000x128xf32>
    %get3A_7 = arith.constant 0 : index
    %get3A_8 = arith.constant 0 : index
    %get3A_9 = vector.load %arg4[%get3A_7, %get3A_8] : memref<2x128xf32, #tpu.memory_space<vmem>>, vector<1x128xf32>
    %reduce_sum3A = arith.constant dense<0.000000e+00> : vector<128xf32>
    %reduce_sum3A_10 = vector.multi_reduction <add>, %add3A, %reduce_sum3A [0] : vector<4000x128xf32> to vector<128xf32>
    %broadcast_in_dim3A = vector.shape_cast %reduce_sum3A_10 : vector<128xf32> to vector<1x128xf32>
    %add3A_11 = arith.addf %get3A_9, %broadcast_in_dim3A : vector<1x128xf32>
    %swap3A = arith.constant 0 : index
    %swap3A_12 = arith.constant 0 : index
    %swap3A_13 = vector.load %arg4[%swap3A, %swap3A_12] : memref<2x128xf32, #tpu.memory_space<vmem>>, vector<1x128xf32>
    tpu.vector_store %arg4[%swap3A, %swap3A_12], %add3A_11 {strides = array<i32>} : memref<2x128xf32, #tpu.memory_space<vmem>>, vector<1x128xf32>,
    %get3A_14 = arith.constant 1 : index
    %get3A_15 = arith.constant 0 : index
    %get3A_16 = vector.load %arg4[%get3A_14, %get3A_15] : memref<2x128xf32, #tpu.memory_space<vmem>>, vector<1x128xf32>
    %mul3A = arith.mulf %add3A, %add3A : vector<4000x128xf32>
    %reduce_sum3A_17 = arith.constant dense<0.000000e+00> : vector<128xf32>
    %reduce_sum3A_18 = vector.multi_reduction <add>, %mul3A, %reduce_sum3A_17 [0] : vector<4000x128xf32> to vector<128xf32>
    %broadcast_in_dim3A_19 = vector.shape_cast %reduce_sum3A_18 : vector<128xf32> to vector<1x128xf32>
    %add3A_20 = arith.addf %get3A_16, %broadcast_in_dim3A_19 : vector<1x128xf32>
    %swap3A_21 = arith.constant 1 : index
    %swap3A_22 = arith.constant 0 : index
    %swap3A_23 = vector.load %arg4[%swap3A_21, %swap3A_22] : memref<2x128xf32, #tpu.memory_space<vmem>>, vector<1x128xf32>
    tpu.vector_store %arg4[%swap3A_21, %swap3A_22], %add3A_20 {strides = array<i32>} : memref<2x128xf32, #tpu.memory_space<vmem>>, vector<1x128xf32>,
    %eq3A_24 = arith.constant 79 : i32
    %eq3A_25 = arith.cmpi eq, %arg0, %eq3A_24 : i32
    %convert_element_type3A_26 = arith.extui %eq3A_25 : i1 to i32
    %cond3A_27 = arith.constant 0 : i32
    %cond3A_28 = arith.cmpi ne, %convert_element_type3A_26, %cond3A_27 : i32
    scf.if %cond3A_28 {
      %get3A_29 = arith.constant 0 : index
      %get3A_30 = arith.constant 0 : index
      %get3A_31 = vector.load %arg4[%get3A_29, %get3A_30] : memref<2x128xf32, #tpu.memory_space<vmem>>, vector<2x128xf32>
      %swap3A_32 = arith.constant 0 : index
      %swap3A_33 = arith.constant 0 : index
      %swap3A_34 = vector.load %arg3[%swap3A_32, %swap3A_33] : memref<2x128xf32, #tpu.memory_space<vmem>>, vector<2x128xf32>
      tpu.vector_store %arg3[%swap3A_32, %swap3A_33], %get3A_31 {strides = array<i32>} : memref<2x128xf32, #tpu.memory_space<vmem>>, vector<2x128xf32>,
    } else {
    }
    return
  }
  func.func @transform_0(%arg0: i32) -> (i32, i32) {
    %c0_i32 = arith.constant 0 : i32
    %c0_i32_0 = arith.constant 0 : i32
    return %arg0, %c0_i32 : i32, i32
  }
  func.func @transform_1(%arg0: i32) -> (i32, i32) {
    %c0_i32 = arith.constant 0 : i32
    %c0_i32_0 = arith.constant 0 : i32
    return %arg0, %c0_i32 : i32, i32
  }
  func.func @transform_2(%arg0: i32) -> (i32, i32) {
    %c0_i32 = arith.constant 0 : i32
    %c0_i32_0 = arith.constant 0 : i32
    %c0_i32_1 = arith.constant 0 : i32
    return %c0_i32, %c0_i32_0 : i32, i32
  }
}

module attributes {stable_mosaic.version = 14 : i64} {
  func.func @_mlp2_kernel(%arg0: i32, %arg1: memref<4000x128xf32, #tpu.memory_space<vmem>>, %arg2: memref<4000x128xf32, #tpu.memory_space<vmem>>, %arg3: memref<2x128xf32, #tpu.memory_space<vmem>>, %arg4: memref<1x128xf32, #tpu.memory_space<vmem>>, %arg5: memref<1x128xf32, #tpu.memory_space<vmem>>, %arg6: memref<128x128xf32, #tpu.memory_space<vmem>>, %arg7: memref<4000x128xf32, #tpu.memory_space<vmem>>, %arg8: memref<2x128xf32, #tpu.memory_space<vmem>>, %arg9: memref<2x128xf32, #tpu.memory_space<vmem>>) attributes {dimension_semantics = [#tpu.dimension_semantics<arbitrary>], iteration_bounds = array<i64: 80>, scalar_prefetch = 0 : i64, scratch_operands = 1 : i64, tpu.core_type = #tpu.core_type<tc>, window_params = [{transform_indices = @transform_0, window_bounds = array<i64: 4000, 128>}, {transform_indices = @transform_1, window_bounds = array<i64: 4000, 128>}, {pipeline_mode = #tpu.pipeline_mode<synchronous>, transform_indices = @transform_2, window_bounds = array<i64: 2, 128>}, {pipeline_mode = #tpu.pipeline_mode<synchronous>, transform_indices = @transform_3, window_bounds = array<i64: 1, 128>}, {pipeline_mode = #tpu.pipeline_mode<synchronous>, transform_indices = @transform_4, window_bounds = array<i64: 1, 128>}, {pipeline_mode = #tpu.pipeline_mode<synchronous>, transform_indices = @transform_5, window_bounds = array<i64: 128, 128>}, {transform_indices = @transform_6, window_bounds = array<i64: 4000, 128>}, {pipeline_mode = #tpu.pipeline_mode<synchronous>, transform_indices = @transform_7, window_bounds = array<i64: 2, 128>}]} {
    %eq3A = arith.constant 0 : i32
    %eq3A_0 = arith.cmpi eq, %arg0, %eq3A : i32
    %convert_element_type3A = arith.extui %eq3A_0 : i1 to i32
    %cond3A = arith.constant 0 : i32
    %cond3A_1 = arith.cmpi ne, %convert_element_type3A, %cond3A : i32
    scf.if %cond3A_1 {
      %broadcast_in_dim3A_67 = arith.constant 0.000000e+00 : f32
      %broadcast_in_dim3A_68 = vector.broadcast %broadcast_in_dim3A_67 : f32 to vector<2x128xf32>
      %swap3A_69 = arith.constant 0 : index
      %swap3A_70 = arith.constant 0 : index
      %swap3A_71 = vector.load %arg9[%swap3A_69, %swap3A_70] : memref<2x128xf32, #tpu.memory_space<vmem>>, vector<2x128xf32>
      tpu.vector_store %arg9[%swap3A_69, %swap3A_70], %broadcast_in_dim3A_68 {strides = array<i32>} : memref<2x128xf32, #tpu.memory_space<vmem>>, vector<2x128xf32>,
    } else {
    }
    %get3A = arith.constant 0 : index
    %get3A_2 = arith.constant 0 : index
    %get3A_3 = vector.load %arg3[%get3A, %get3A_2] : memref<2x128xf32, #tpu.memory_space<vmem>>, vector<1x128xf32>
    %mul3A = arith.constant 3.125000e-06 : f32
    %mul3A_4 = vector.broadcast %mul3A : f32 to vector<1x128xf32>
    %mul3A_5 = arith.mulf %get3A_3, %mul3A_4 : vector<1x128xf32>
    %get3A_6 = arith.constant 1 : index
    %get3A_7 = arith.constant 0 : index
    %get3A_8 = vector.load %arg3[%get3A_6, %get3A_7] : memref<2x128xf32, #tpu.memory_space<vmem>>, vector<1x128xf32>
    %mul3A_9 = arith.constant 3.125000e-06 : f32
    %mul3A_10 = vector.broadcast %mul3A_9 : f32 to vector<1x128xf32>
    %mul3A_11 = arith.mulf %get3A_8, %mul3A_10 : vector<1x128xf32>
    %mul3A_12 = arith.mulf %mul3A_5, %mul3A_5 : vector<1x128xf32>
    %sub3A = arith.subf %mul3A_11, %mul3A_12 : vector<1x128xf32>
    %get3A_13 = arith.constant 0 : index
    %get3A_14 = arith.constant 0 : index
    %get3A_15 = vector.load %arg4[%get3A_13, %get3A_14] : memref<1x128xf32, #tpu.memory_space<vmem>>, vector<1x128xf32>
    %add3A = arith.constant 9.99999974E-6 : f32
    %add3A_16 = vector.broadcast %add3A : f32 to vector<1x128xf32>
    %add3A_17 = arith.addf %sub3A, %add3A_16 : vector<1x128xf32>
    %rsqrt3A = math.rsqrt %add3A_17 : vector<1x128xf32>
    %mul3A_18 = arith.mulf %get3A_15, %rsqrt3A : vector<1x128xf32>
    %get3A_19 = arith.constant 0 : index
    %get3A_20 = arith.constant 0 : index
    %get3A_21 = vector.load %arg5[%get3A_19, %get3A_20] : memref<1x128xf32, #tpu.memory_space<vmem>>, vector<1x128xf32>
    %mul3A_22 = arith.mulf %mul3A_5, %mul3A_18 : vector<1x128xf32>
    %sub3A_23 = arith.subf %get3A_21, %mul3A_22 : vector<1x128xf32>
    %get3A_24 = arith.constant 0 : index
    %get3A_25 = arith.constant 0 : index
    %get3A_26 = vector.load %arg1[%get3A_24, %get3A_25] : memref<4000x128xf32, #tpu.memory_space<vmem>>, vector<4000x128xf32>
    %get3A_27 = arith.constant 0 : index
    %get3A_28 = arith.constant 0 : index
    %get3A_29 = vector.load %arg2[%get3A_27, %get3A_28] : memref<4000x128xf32, #tpu.memory_space<vmem>>, vector<4000x128xf32>
    %add3A_30 = arith.addf %get3A_26, %get3A_29 : vector<4000x128xf32>
    %mul3A_31 = vector.broadcast %mul3A_18 : vector<1x128xf32> to vector<4000x128xf32>
    %mul3A_32 = arith.mulf %add3A_30, %mul3A_31 : vector<4000x128xf32>
    %add3A_33 = vector.broadcast %sub3A_23 : vector<1x128xf32> to vector<4000x128xf32>
    %add3A_34 = arith.addf %mul3A_32, %add3A_33 : vector<4000x128xf32>
    %max3A = arith.constant 0.000000e+00 : f32
    %max3A_35 = vector.broadcast %max3A : f32 to vector<4000x128xf32>
    %max3A_36 = arith.maximumf %add3A_34, %max3A_35 : vector<4000x128xf32>
    %get3A_37 = arith.constant 0 : index
    %get3A_38 = arith.constant 0 : index
    %get3A_39 = vector.load %arg6[%get3A_37, %get3A_38] : memref<128x128xf32, #tpu.memory_space<vmem>>, vector<128x128xf32>
    %dot_general3A = arith.constant dense<0.000000e+00> : vector<4000x128xf32>
    %dot_general3A_40 = tpu.matmul %max3A_36, %get3A_39, %dot_general3A {dimension_numbers = #tpu.dot_dimension_numbers<[1], [0], [0], [1], [0, 0, 1, 1], [], []>, transpose_lhs_hint = false} : vector<4000x128xf32>, vector<128x128xf32>, vector<4000x128xf32> -> vector<4000x128xf32>
    %swap3A = arith.constant 0 : index
    %swap3A_41 = arith.constant 0 : index
    %swap3A_42 = vector.load %arg7[%swap3A, %swap3A_41] : memref<4000x128xf32, #tpu.memory_space<vmem>>, vector<4000x128xf32>
    tpu.vector_store %arg7[%swap3A, %swap3A_41], %dot_general3A_40 {strides = array<i32>} : memref<4000x128xf32, #tpu.memory_space<vmem>>, vector<4000x128xf32>,
    %get3A_43 = arith.constant 0 : index
    %get3A_44 = arith.constant 0 : index
    %get3A_45 = vector.load %arg9[%get3A_43, %get3A_44] : memref<2x128xf32, #tpu.memory_space<vmem>>, vector<1x128xf32>
    %reduce_sum3A = arith.constant dense<0.000000e+00> : vector<128xf32>
    %reduce_sum3A_46 = vector.multi_reduction <add>, %dot_general3A_40, %reduce_sum3A [0] : vector<4000x128xf32> to vector<128xf32>
    %broadcast_in_dim3A = vector.shape_cast %reduce_sum3A_46 : vector<128xf32> to vector<1x128xf32>
    %add3A_47 = arith.addf %get3A_45, %broadcast_in_dim3A : vector<1x128xf32>
    %swap3A_48 = arith.constant 0 : index
    %swap3A_49 = arith.constant 0 : index
    %swap3A_50 = vector.load %arg9[%swap3A_48, %swap3A_49] : memref<2x128xf32, #tpu.memory_space<vmem>>, vector<1x128xf32>
    tpu.vector_store %arg9[%swap3A_48, %swap3A_49], %add3A_47 {strides = array<i32>} : memref<2x128xf32, #tpu.memory_space<vmem>>, vector<1x128xf32>,
    %get3A_51 = arith.constant 1 : index
    %get3A_52 = arith.constant 0 : index
    %get3A_53 = vector.load %arg9[%get3A_51, %get3A_52] : memref<2x128xf32, #tpu.memory_space<vmem>>, vector<1x128xf32>
    %mul3A_54 = arith.mulf %dot_general3A_40, %dot_general3A_40 : vector<4000x128xf32>
    %reduce_sum3A_55 = arith.constant dense<0.000000e+00> : vector<128xf32>
    %reduce_sum3A_56 = vector.multi_reduction <add>, %mul3A_54, %reduce_sum3A_55 [0] : vector<4000x128xf32> to vector<128xf32>
    %broadcast_in_dim3A_57 = vector.shape_cast %reduce_sum3A_56 : vector<128xf32> to vector<1x128xf32>
    %add3A_58 = arith.addf %get3A_53, %broadcast_in_dim3A_57 : vector<1x128xf32>
    %swap3A_59 = arith.constant 1 : index
    %swap3A_60 = arith.constant 0 : index
    %swap3A_61 = vector.load %arg9[%swap3A_59, %swap3A_60] : memref<2x128xf32, #tpu.memory_space<vmem>>, vector<1x128xf32>
    tpu.vector_store %arg9[%swap3A_59, %swap3A_60], %add3A_58 {strides = array<i32>} : memref<2x128xf32, #tpu.memory_space<vmem>>, vector<1x128xf32>,
    %eq3A_62 = arith.constant 79 : i32
    %eq3A_63 = arith.cmpi eq, %arg0, %eq3A_62 : i32
    %convert_element_type3A_64 = arith.extui %eq3A_63 : i1 to i32
    %cond3A_65 = arith.constant 0 : i32
    %cond3A_66 = arith.cmpi ne, %convert_element_type3A_64, %cond3A_65 : i32
    scf.if %cond3A_66 {
      %get3A_67 = arith.constant 0 : index
      %get3A_68 = arith.constant 0 : index
      %get3A_69 = vector.load %arg9[%get3A_67, %get3A_68] : memref<2x128xf32, #tpu.memory_space<vmem>>, vector<2x128xf32>
      %swap3A_70 = arith.constant 0 : index
      %swap3A_71 = arith.constant 0 : index
      %swap3A_72 = vector.load %arg8[%swap3A_70, %swap3A_71] : memref<2x128xf32, #tpu.memory_space<vmem>>, vector<2x128xf32>
      tpu.vector_store %arg8[%swap3A_70, %swap3A_71], %get3A_69 {strides = array<i32>} : memref<2x128xf32, #tpu.memory_space<vmem>>, vector<2x128xf32>,
    } else {
    }
    return
  }
  func.func @transform_0(%arg0: i32) -> (i32, i32) {
    %c0_i32 = arith.constant 0 : i32
    %c0_i32_0 = arith.constant 0 : i32
    return %arg0, %c0_i32 : i32, i32
  }
  func.func @transform_1(%arg0: i32) -> (i32, i32) {
    %c0_i32 = arith.constant 0 : i32
    %c0_i32_0 = arith.constant 0 : i32
    return %arg0, %c0_i32 : i32, i32
  }
  func.func @transform_2(%arg0: i32) -> (i32, i32) {
    %c0_i32 = arith.constant 0 : i32
    %c0_i32_0 = arith.constant 0 : i32
    %c0_i32_1 = arith.constant 0 : i32
    return %c0_i32, %c0_i32_0 : i32, i32
  }
  func.func @transform_3(%arg0: i32) -> (i32, i32) {
    %c0_i32 = arith.constant 0 : i32
    %c0_i32_0 = arith.constant 0 : i32
    %c0_i32_1 = arith.constant 0 : i32
    return %c0_i32, %c0_i32_0 : i32, i32
  }
  func.func @transform_4(%arg0: i32) -> (i32, i32) {
    %c0_i32 = arith.constant 0 : i32
    %c0_i32_0 = arith.constant 0 : i32
    %c0_i32_1 = arith.constant 0 : i32
    return %c0_i32, %c0_i32_0 : i32, i32
  }
  func.func @transform_5(%arg0: i32) -> (i32, i32) {
    %c0_i32 = arith.constant 0 : i32
    %c0_i32_0 = arith.constant 0 : i32
    %c0_i32_1 = arith.constant 0 : i32
    return %c0_i32, %c0_i32_0 : i32, i32
  }
  func.func @transform_6(%arg0: i32) -> (i32, i32) {
    %c0_i32 = arith.constant 0 : i32
    %c0_i32_0 = arith.constant 0 : i32
    return %arg0, %c0_i32 : i32, i32
  }
  func.func @transform_7(%arg0: i32) -> (i32, i32) {
    %c0_i32 = arith.constant 0 : i32
    %c0_i32_0 = arith.constant 0 : i32
    %c0_i32_1 = arith.constant 0 : i32
    return %c0_i32, %c0_i32_0 : i32, i32
  }
}

module attributes {stable_mosaic.version = 14 : i64} {
  func.func @_msg_kernel(%arg0: i32, %arg1: memref<4000x128xf32, #tpu.memory_space<vmem>>, %arg2: memref<2x128xf32, #tpu.memory_space<vmem>>, %arg3: memref<1x128xf32, #tpu.memory_space<vmem>>, %arg4: memref<1x128xf32, #tpu.memory_space<vmem>>, %arg5: memref<4000x128xf32, #tpu.memory_space<vmem>>) attributes {dimension_semantics = [#tpu.dimension_semantics<arbitrary>], iteration_bounds = array<i64: 80>, scalar_prefetch = 0 : i64, scratch_operands = 0 : i64, tpu.core_type = #tpu.core_type<tc>, window_params = [{transform_indices = @transform_0, window_bounds = array<i64: 4000, 128>}, {pipeline_mode = #tpu.pipeline_mode<synchronous>, transform_indices = @transform_1, window_bounds = array<i64: 2, 128>}, {pipeline_mode = #tpu.pipeline_mode<synchronous>, transform_indices = @transform_2, window_bounds = array<i64: 1, 128>}, {pipeline_mode = #tpu.pipeline_mode<synchronous>, transform_indices = @transform_3, window_bounds = array<i64: 1, 128>}, {transform_indices = @transform_4, window_bounds = array<i64: 4000, 128>}]} {
    %get3A = arith.constant 0 : index
    %get3A_0 = arith.constant 0 : index
    %get3A_1 = vector.load %arg2[%get3A, %get3A_0] : memref<2x128xf32, #tpu.memory_space<vmem>>, vector<1x128xf32>
    %mul3A = arith.constant 3.125000e-06 : f32
    %mul3A_2 = vector.broadcast %mul3A : f32 to vector<1x128xf32>
    %mul3A_3 = arith.mulf %get3A_1, %mul3A_2 : vector<1x128xf32>
    %get3A_4 = arith.constant 1 : index
    %get3A_5 = arith.constant 0 : index
    %get3A_6 = vector.load %arg2[%get3A_4, %get3A_5] : memref<2x128xf32, #tpu.memory_space<vmem>>, vector<1x128xf32>
    %mul3A_7 = arith.constant 3.125000e-06 : f32
    %mul3A_8 = vector.broadcast %mul3A_7 : f32 to vector<1x128xf32>
    %mul3A_9 = arith.mulf %get3A_6, %mul3A_8 : vector<1x128xf32>
    %mul3A_10 = arith.mulf %mul3A_3, %mul3A_3 : vector<1x128xf32>
    %sub3A = arith.subf %mul3A_9, %mul3A_10 : vector<1x128xf32>
    %get3A_11 = arith.constant 0 : index
    %get3A_12 = arith.constant 0 : index
    %get3A_13 = vector.load %arg3[%get3A_11, %get3A_12] : memref<1x128xf32, #tpu.memory_space<vmem>>, vector<1x128xf32>
    %add3A = arith.constant 9.99999974E-6 : f32
    %add3A_14 = vector.broadcast %add3A : f32 to vector<1x128xf32>
    %add3A_15 = arith.addf %sub3A, %add3A_14 : vector<1x128xf32>
    %rsqrt3A = math.rsqrt %add3A_15 : vector<1x128xf32>
    %mul3A_16 = arith.mulf %get3A_13, %rsqrt3A : vector<1x128xf32>
    %get3A_17 = arith.constant 0 : index
    %get3A_18 = arith.constant 0 : index
    %get3A_19 = vector.load %arg4[%get3A_17, %get3A_18] : memref<1x128xf32, #tpu.memory_space<vmem>>, vector<1x128xf32>
    %mul3A_20 = arith.mulf %mul3A_3, %mul3A_16 : vector<1x128xf32>
    %sub3A_21 = arith.subf %get3A_19, %mul3A_20 : vector<1x128xf32>
    %get3A_22 = arith.constant 0 : index
    %get3A_23 = arith.constant 0 : index
    %get3A_24 = vector.load %arg1[%get3A_22, %get3A_23] : memref<4000x128xf32, #tpu.memory_space<vmem>>, vector<4000x128xf32>
    %mul3A_25 = vector.broadcast %mul3A_16 : vector<1x128xf32> to vector<4000x128xf32>
    %mul3A_26 = arith.mulf %get3A_24, %mul3A_25 : vector<4000x128xf32>
    %add3A_27 = vector.broadcast %sub3A_21 : vector<1x128xf32> to vector<4000x128xf32>
    %add3A_28 = arith.addf %mul3A_26, %add3A_27 : vector<4000x128xf32>
    %max3A = arith.constant 0.000000e+00 : f32
    %max3A_29 = vector.broadcast %max3A : f32 to vector<4000x128xf32>
    %max3A_30 = arith.maximumf %add3A_28, %max3A_29 : vector<4000x128xf32>
    %swap3A = arith.constant 0 : index
    %swap3A_31 = arith.constant 0 : index
    %swap3A_32 = vector.load %arg5[%swap3A, %swap3A_31] : memref<4000x128xf32, #tpu.memory_space<vmem>>, vector<4000x128xf32>
    tpu.vector_store %arg5[%swap3A, %swap3A_31], %max3A_30 {strides = array<i32>} : memref<4000x128xf32, #tpu.memory_space<vmem>>, vector<4000x128xf32>,
    return
  }
  func.func @transform_0(%arg0: i32) -> (i32, i32) {
    %c0_i32 = arith.constant 0 : i32
    %c0_i32_0 = arith.constant 0 : i32
    return %arg0, %c0_i32 : i32, i32
  }
  func.func @transform_1(%arg0: i32) -> (i32, i32) {
    %c0_i32 = arith.constant 0 : i32
    %c0_i32_0 = arith.constant 0 : i32
    %c0_i32_1 = arith.constant 0 : i32
    return %c0_i32, %c0_i32_0 : i32, i32
  }
  func.func @transform_2(%arg0: i32) -> (i32, i32) {
    %c0_i32 = arith.constant 0 : i32
    %c0_i32_0 = arith.constant 0 : i32
    %c0_i32_1 = arith.constant 0 : i32
    return %c0_i32, %c0_i32_0 : i32, i32
  }
  func.func @transform_3(%arg0: i32) -> (i32, i32) {
    %c0_i32 = arith.constant 0 : i32
    %c0_i32_0 = arith.constant 0 : i32
    %c0_i32_1 = arith.constant 0 : i32
    return %c0_i32, %c0_i32_0 : i32, i32
  }
  func.func @transform_4(%arg0: i32) -> (i32, i32) {
    %c0_i32 = arith.constant 0 : i32
    %c0_i32_0 = arith.constant 0 : i32
    return %arg0, %c0_i32 : i32, i32
  }
}

module attributes {stable_mosaic.version = 14 : i64} {
  func.func @_combine_kernel(%arg0: i32, %arg1: i32, %arg2: memref<1x1280x128xf32, #tpu.memory_space<vmem>>, %arg3: memref<1x1280x128xf32, #tpu.memory_space<vmem>>, %arg4: memref<1280x128xf32, #tpu.memory_space<vmem>>) attributes {dimension_semantics = [#tpu.dimension_semantics<arbitrary>, #tpu.dimension_semantics<arbitrary>], iteration_bounds = array<i64: 2, 4>, scalar_prefetch = 0 : i64, scratch_operands = 0 : i64, tpu.core_type = #tpu.core_type<tc>, window_params = [{transform_indices = @transform_0, window_bounds = array<i64: 1, 1280, 128>}, {transform_indices = @transform_1, window_bounds = array<i64: 1, 1280, 128>}, {transform_indices = @transform_2, window_bounds = array<i64: 1280, 128>}]} {
    %get3A = arith.constant 0 : index
    %get3A_0 = arith.constant 0 : index
    %get3A_1 = arith.constant 0 : index
    %get3A_2 = vector.load %arg3[%get3A, %get3A_0, %get3A_1] : memref<1x1280x128xf32, #tpu.memory_space<vmem>>, vector<1x1280x1xf32>
    %get3A_3 = vector.shape_cast %get3A_2 : vector<1x1280x1xf32> to vector<1280x1xf32>
    %get3A_4 = arith.constant 0 : index
    %get3A_5 = arith.constant 0 : index
    %get3A_6 = arith.constant 0 : index
    %get3A_7 = vector.load %arg2[%get3A_4, %get3A_5, %get3A_6] : memref<1x1280x128xf32, #tpu.memory_space<vmem>>, vector<1x1280x128xf32>
    %get3A_8 = vector.shape_cast %get3A_7 : vector<1x1280x128xf32> to vector<1280x128xf32>
    %max3A = arith.constant 1.000000e+00 : f32
    %max3A_9 = vector.broadcast %max3A : f32 to vector<1280x1xf32>
    %max3A_10 = arith.maximumf %get3A_3, %max3A_9 : vector<1280x1xf32>
    %div3A = vector.broadcast %max3A_10 : vector<1280x1xf32> to vector<1280x128xf32>
    %div3A_11 = arith.divf %get3A_8, %div3A : vector<1280x128xf32>
    %swap3A = arith.constant 0 : index
    %swap3A_12 = arith.constant 0 : index
    %swap3A_13 = vector.load %arg4[%swap3A, %swap3A_12] : memref<1280x128xf32, #tpu.memory_space<vmem>>, vector<1280x128xf32>
    tpu.vector_store %arg4[%swap3A, %swap3A_12], %div3A_11 {strides = array<i32>} : memref<1280x128xf32, #tpu.memory_space<vmem>>, vector<1280x128xf32>,
    return
  }
  func.func @transform_0(%arg0: i32, %arg1: i32) -> (i32, i32, i32) {
    %c0_i32 = arith.constant 0 : i32
    %c0_i32_0 = arith.constant 0 : i32
    return %arg0, %arg1, %c0_i32 : i32, i32, i32
  }
  func.func @transform_1(%arg0: i32, %arg1: i32) -> (i32, i32, i32) {
    %c0_i32 = arith.constant 0 : i32
    %c0_i32_0 = arith.constant 0 : i32
    return %arg0, %arg1, %c0_i32 : i32, i32, i32
  }
  func.func @transform_2(%arg0: i32, %arg1: i32) -> (i32, i32) {
    %mul3A = arith.constant 4 : i32
    %mul3A_0 = arith.muli %arg0, %mul3A : i32
    %add3A = arith.addi %mul3A_0, %arg1 : i32
    %c0_i32 = arith.constant 0 : i32
    %c0_i32_1 = arith.constant 0 : i32
    return %add3A, %c0_i32 : i32, i32
  }
}

</mosaic_0001>

<sc_bundles>
// kernel: kernel.10.cloned.1.call-start
scs
__scs_entry_jumppad:
0x0: {  	(pc) =	sbr.rel $0x88, $3  }
0x1: {  	(tag) =	ssettag $0x0;
	lr =	simm.s32 $0x1  }
0x2: {  	[smem:$0x3F99] =	sst lr;
	_ =	strace $0xD0000000  }
0x3: {  	_ = 	snop  }
0x4: {  	_ = 	snop  }
0x5: {  	_ = 	snop  }
0x6: {  	_ = 	snop  }
0x7: {  	_ = 	snop  }
__scs_overlays_trampoline_lowered:
0x8: {  	[smem:$0x3FA8] =	sst s0  }
0x9: {  	[smem:$0x3FA9] =	sst s1  }
0xa: {  	[smem:$0x3FAA] =	sst s2  }
0xb: {  	[smem:$0x3FAB] =	sst s3  }
0xc: {  	[smem:$0x3FAC] =	sst s4  }
0xd: {  	[smem:$0x3FAD] =	sst s5  }
0xe: {  	[smem:$0x3FAE] =	sst s6  }
0xf: {  	[smem:$0x3FAF] =	sst s7  }
0x10: {  	[smem:$0x3FB0] =	sst s8  }
0x11: {  	[smem:$0x3FB1] =	sst s9;
	s0 =	simm.s32 @!p0 $0x0  }
0x12: {  	s1 =	sld [smem:$0x3F97];
	s0 =	simm.s32 @p0 $0x1  }
0x13: {  	[smem:$0x3FB2] =	sst s0;
	s0 =	simm.s32 @!p1 $0x0  }
0x14: {  	s2 =	sld [smem:$0x3F96];
	s0 =	simm.s32 @p1 $0x1  }
0x15: {  	[smem:$0x3FB3] =	sst s0;
	s0 =	simm.s32 @!p2 $0x0  }
0x16: {  	s3 =	sld [smem:$0x3FDB];
	s0 =	simm.s32 @p2 $0x1  }
0x17: {  	s4 =	simm.s32 $0x1BF5;
	[smem:$0x3FB5] =	sst s0  }
0x18: {  	s0 =	sld [smem:$0x3F98];
	_ =	swait.ge [sflag:s4], $0x0  }
0x19: {  	s7 =	sld [smem:$0x3F99]  }
0x1a: {  	s8 =	sadd.s32 $0xFFFFE003, lr  }
0x1b: {  	s9 =	sadd.s32 $0xFFFFFEF7, lr;
	s5 =	simm.s32 $0xFFFFFFFF;
	p2 =	slt.u32 s8, $0xFFFFF086  }
0x1c: {  	p1 =	slt.u32 s9, $0xF7A;
	s5 =	simm.s32 @!p2 $0x0  }
0x1d: {  	s5 =	simm.s32 @p1 $0x1;
	p0 =	seq.s32 s7, s2  }
0x1e: {  	s7 =	smul.u32 @!p0 $0xF7A, s2;
	p2 =	seq.s32 @!p0 s5, $0x0  }
0x1f: {  	s9 =	smul.u32 $0xF7A, s1;
	s8 =	simm.s32 @!p0 $0x1BF5;
	p2 =	por !p2, p0  }
0x20: {  	[sflag:s8] =	ssyncset.s32 @!p0 $0xFFFFF086;
	s6 =	sadd.s32 @!p0 s3, s7;
	s7 =	simm.s32 @!p0 $0x108  }
0x21: {  	s3 =	sadd.s32 s3, s9;
	s6 =	sadd.s32 @!p0 $0x88, s6;
	s7 =	simm.s32 @p2 $0x1082  }
0x22: {  	[simem:s7], [sflag:s8] =	dma.local @!p0 [hbm:s6], $0xF7A  }
0x23: {  	s9 =	sor.u32 $0xD0000000, s2;
	s6 =	simm.s32 $0x108;
	_ =	swait.ge @!p0 [sflag:s8], $0x0  }
0x24: {  	s3 =	sadd.s32 $0x88, s3;
	s6 =	simm.s32 @!p1 $0x1082;
	[sflag:s4] =	ssyncset.s32 $0xFFFFF086  }
0x25: {  	[simem:s6], [sflag:s4] =	dma.local [hbm:s3], $0xF7A  }
0x26: {  	[smem:$0x3F99] =	sst s1;
	(tag) =	ssettag s2;
	_ =	strace s9  }
0x27: {  	s1 =	sld [smem:$0x3FA9]  }
0x28: {  	s2 =	sld [smem:$0x3FAA]  }
0x29: {  	s4 =	sld [smem:$0x3FAC]  }
0x2a: {  	p0 =	seq.s32 s5, $0x0;
	s5 =	sld [smem:$0x3FAD]  }
0x2b: {  	s6 =	sld [smem:$0x3FAE]  }
0x2c: {  	s7 =	sld [smem:$0x3FAF]  }
0x2d: {  	s3 =	simm.s32 $0x108;
	s8 =	sld [smem:$0x3FB0]  }
0x2e: {  	s3 =	simm.s32 @!p0 $0x1082;
	s9 =	sld [smem:$0x3FB1]  }
0x2f: {  	lr =	sadd.s32 s0, s3;
	s0 =	sld [smem:$0x3FA8]  }
0x30: {  	s3 =	sld [smem:$0x3FAB]  }
0x31: {  	[smem:$0x3FB4] =	sst s10  }
0x32: {  	s10 =	sld [smem:$0x3FB2];
	_ =	sdelay $0x3  }
0x33: {  	p0 =	seq.s32 s10, $0x1;
	s10 =	sld [smem:$0x3FB4];
	_ =	sdelay $0x3  }
0x34: {  	[smem:$0x3FB4] =	sst s10  }
0x35: {  	s10 =	sld [smem:$0x3FB3];
	_ =	sdelay $0x3  }
0x36: {  	p1 =	seq.s32 s10, $0x1;
	s10 =	sld [smem:$0x3FB4];
	_ =	sdelay $0x3  }
0x37: {  	[smem:$0x3FB4] =	sst s10  }
0x38: {  	s10 =	sld [smem:$0x3FB5]  }
0x39: {  	_ = 	snop;
	(pc) =	sbr.ind lr, $3  }
0x3a: {  	_ = 	snop  }
0x3b: {  	_ = 	snop  }
0x3c: {  	p2 =	seq.s32 s10, $0x1;
	s10 =	sld [smem:$0x3FB4]  }
0x3d: {  	_ =	shalt  }
0x3e: {  	_ =	shalt  }
0x3f: {  	_ =	shalt  }
0x40: {  	_ =	shalt  }
0x41: {  	_ =	shalt  }
0x42: {  	_ =	shalt  }
0x43: {  	_ =	shalt  }
0x44: {  	_ =	shalt  }
0x45: {  	_ =	shalt  }
0x46: {  	_ =	shalt  }
0x47: {  	_ =	shalt  }
0x48: {  	_ =	shalt  }
0x49: {  	_ =	shalt  }
0x4a: {  	_ =	shalt  }
0x4b: {  	_ =	shalt  }
0x4c: {  	_ =	shalt  }
0x4d: {  	_ =	shalt  }
0x4e: {  	_ =	shalt  }
0x4f: {  	_ =	shalt  }
0x50: {  	_ =	shalt  }
0x51: {  	_ =	shalt  }
0x52: {  	_ =	shalt  }
0x53: {  	_ =	shalt  }
0x54: {  	_ =	shalt  }
0x55: {  	_ =	shalt  }
0x56: {  	_ =	shalt  }
0x57: {  	_ =	shalt  }
0x58: {  	_ =	shalt  }
0x59: {  	_ =	shalt  }
0x5a: {  	_ =	shalt  }
0x5b: {  	_ =	shalt  }
0x5c: {  	_ =	shalt  }
0x5d: {  	_ =	shalt  }
0x5e: {  	_ =	shalt  }
0x5f: {  	_ =	shalt  }
0x60: {  	_ =	shalt  }
0x61: {  	_ =	shalt  }
0x62: {  	_ =	shalt  }
0x63: {  	_ =	shalt  }
0x64: {  	_ =	shalt  }
0x65: {  	_ =	shalt  }
0x66: {  	_ =	shalt  }
0x67: {  	_ =	shalt  }
0x68: {  	_ =	shalt  }
0x69: {  	_ =	shalt  }
0x6a: {  	_ =	shalt  }
0x6b: {  	_ =	shalt  }
0x6c: {  	_ =	shalt  }
0x6d: {  	_ =	shalt  }
0x6e: {  	_ =	shalt  }
0x6f: {  	_ =	shalt  }
0x70: {  	_ =	shalt  }
0x71: {  	_ =	shalt  }
0x72: {  	_ =	shalt  }
0x73: {  	_ =	shalt  }
0x74: {  	_ =	shalt  }
0x75: {  	_ =	shalt  }
0x76: {  	_ =	shalt  }
0x77: {  	_ =	shalt  }
0x78: {  	_ =	shalt  }
0x79: {  	_ =	shalt  }
0x7a: {  	_ =	shalt  }
0x7b: {  	_ =	shalt  }
0x7c: {  	_ =	shalt  }
0x7d: {  	_ =	shalt  }
0x7e: {  	_ =	shalt  }
0x7f: {  	_ =	shalt  }
0x80: {  	_ =	shalt  }
0x81: {  	_ =	shalt  }
0x82: {  	_ =	shalt  }
0x83: {  	_ =	shalt  }
0x84: {  	_ =	shalt  }
0x85: {  	_ =	shalt  }
0x86: {  	_ =	shalt  }
0x87: {  	_ =	shalt  }
.Lfunc_end0:
.L_simem_size_0:
called_computation_lowered:
.L_overlay_start_0:
0x88: {  	s2 =	sld [smem:$0x3FD9]  }
0x89: {  	s3 =	sld [smem:$0x3FFE];
	_ =	sdelay $0x1  }
0x8a: {  	s1 =	srdreg.scid  }
0x8b: {  	s0 =	sand.u32 $0x1, s1  }
0x8c: {  	s14 =	sshll.u32 s0, $0xA;
	s2 =	sadd.s32 s3, s2  }
0x8d: {  	s2 =	sadd.s32 s2, s14  }
0x8e: {  	[smem:$0x3FC0] =	sst s2  }
0x8f: {  	_ = 	snop  }
0x90: {  	s2 =	sld [smem:$0x3FD0];
	_ =	sdelay $0x2  }
0x91: {  	s15 =	simm.s32 $0xB;
	s4 =	simm.s32 $0x10  }
0x92: {  	[smem:s4], [sflag:s15] =	dma.local [hbm:s2], $0x1  }
0x93: {  	_ =	swait.eq [sflag:s15], $0x1  }
0x94: {  	[sflag:s15] =	ssyncset.done $0x0  }
0x95: {  	s16 =	sld [smem:$0x10];
	[sflag:s15] =	ssyncadd.s32 $0xFFFFFFFF  }
0x96: {  	s17 =	sld [smem:$0x11];
	(tm) =	ssettm $0x1  }
0x97: {  	s18 =	sld [smem:$0x3FFB];
	_ =	sdelay $0x3  }
0x98: {  	_ =	strace s18  }
0x99: {  	s4 =	sld [smem:$0x3FFC];
	_ =	sdelay $0x3  }
0x9a: {  	_ =	strace s4  }
0x9b: {  	s4 =	sld [smem:$0x3FFD];
	_ =	sdelay $0x3  }
0x9c: {  	_ =	strace s4  }
0x9d: {  	_ =	strace $0x8FFFFFFF  }
0x9e: {  	s19 =	sld [smem:$0x3FDB];
	_ =	sdelay $0x1  }
0x9f: {  	s5 =	simm.s32 $_scs_section_size  }
0xa0: {  	s6 =	simm.s32 $_size__tile_overlayer_lowered;
	s7 =	simm.s32 $_tile_overlayer_lowered  }
0xa1: {  	s22 =	simm.s32 $0x1BFF;
	s21 =	sshll.u32 s7, $0x1;
	s4 =	sadd.s32 s5, s19  }
0xa2: {  	s8 =	simm.s32 $0x0;
	s20 =	sshll.u32 s6, $0x1;
	s6 =	sadd.s32 s21, s4  }
0xa3: {  	[timem:s8], [sflag:s22] =	dma.local [hbm:s6], s20  }
0xa4: {  	_ =	swait.ge [sflag:s22], s20  }
0xa5: {  	s5 =	ssub.s32 $0x0, s20;
	[sflag:s22] =	ssyncset.done $0x0  }
0xa6: {  	[sflag:s22] =	ssyncadd.s32 s5;
	_ =	sdelay $0x1  }
0xa7: {  	s23 =	simm.s32 $0x1B8B  }
0xa8: {  	_ =	swait.ge [sflag:s23], $0x1  }
0xa9: {  	[sflag:s23] =	ssyncset.done $0x0  }
0xaa: {  	s25 =	simm.s32 $0x1B8E;
	s24 =	sld [smem:$0x3FFE];
	[sflag:s23] =	ssyncadd.s32 $0xFFFFFFFF  }
0xab: {  	s26 =	simm.s32 $execute0_lowered;
	[smem:$0x3FD2] =	sst s25  }
0xac: {  	s6 =	sshll.u32 s26, $0x1;
	_ =	strace $0x80000046;
	[dreg:$0x1] =	wrdreg $0xFFFFFFFF  }
0xad: {  	s28 =	simm.s32 $_size_execute0_lowered;
	s4 =	sadd.s32 s4, s6;
	[dreg:$0x0] =	wrdreg $0x0  }
0xae: {  	s6 =	sshll.u32 s28, $0x1;
	[dreg:$0x2] =	wrdreg s4  }
0xaf: {  	[dreg:$0x3] =	wrdreg s6  }
0xb0: {  	[dreg:$0x4] =	wrdreg $0xC0  }
0xb1: {  	_ =	task [dreg:s8], $0x5FFFF  }
0xb2: {  	[dreg:$0x1] =	wrdreg $0xFFFFFFFF  }
0xb3: {  	[dreg:$0x0] =	wrdreg $0x60  }
0xb4: {  	[dreg:$0x2] =	wrdreg s24  }
0xb5: {  	[dreg:$0x3] =	wrdreg s16  }
0xb6: {  	[dreg:$0x4] =	wrdreg s17  }
0xb7: {  	[dreg:$0x5] =	wrdreg $0xA  }
0xb8: {  	_ =	task.clear_ibuf [dreg:s8], $0x6FFFF;
	_ =	strace $0x90000046  }
0xb9: {  	s29 =	simm.s32 $0xA;
	_ =	strace $0x80000048  }
0xba: {  	_ =	swait.ge [sflag:s29], $0x1  }
0xbb: {  	[sflag:s29] =	ssyncadd.s32 $0xFFFFFFFF  }
0xbc: {  	_ =	strace $0x90000048  }
0xbd: {  	_ =	sfence  }
0xbe: {  	s30 =	sld [smem:$0x0];
	_ =	sdelay $0x2  }
0xbf: {  	s31 =	sshll.u32 s1, $0xD;
	s1 =	sshrl.u32 s1, $0x2  }
0xc0: {  	s3 =	sand.u32 $0x4000, s31;
	s1 =	sadd.s32 s1, s30  }
0xc1: {  	s0 =	sor.u32 s3, s0;
	s1 =	sshll.u32 s1, $0x11  }
0xc2: {  	s0 =	sor.u32 s1, s0  }
0xc3: {  	s0 =	sadd.s32 $0x8F2B, s0  }
0xc4: {  	[sflag:s0] =	ssyncadd.remote.s32 $0x1  }
0xc5: {  	_ =	sfence.sel $0xFFFF  }
0xc6: {  	[dreg:$0x0] =	wrdreg $0xFFFFFFFF;
	(pc) =	sbr.abs _section_cstart, $3  }
0xc7: {  	[dreg:$0x1] =	wrdreg $0xFFFFFFFF  }
0xc8: {  	_ =	task.clear_ibuf [dreg:s8], $0x2FFFF;
	_ =	strace $0x9FFFFFFF  }
0xc9: {  	(tm) =	ssettm $0x7FFFFFFF  }
tec
execute0_lowered:
.L_overlay_start_1:
0x0: {  	(tag) =	ssettag $0x1  }
0x1: {  	s0 =	rddreg [dreg:$0x0]  }
0x2: {  	s1 =	srdreg.scid;
	s5 =	rddreg [dreg:$0x1]  }
0x3: {  	s14 =	stileid.u32;
	s13 =	rddreg [dreg:$0x2]  }
0x4: {  	s15 =	simm.s32 $0x5;
	s16 =	simm.s32 $0x2780;
	s17 =	simm.s32 $0x50  }
0x5: {  	s18 =	simm.s32 $0x4F00;
	s19 =	simm.s32 $0x9F00;
	s20 =	simm.s32 $0x7700  }
0x6: {  	s21 =	simm.s32 $0xC700;
	s22 =	simm.s32 $0x1;
	s23 =	simm.s32 $0x3  }
0x7: {  	s1 =	sand.u32 $0x1, s1;
	s2 =	sshll.u32 s14, $0x1;
	s14 =	smul.u32 $0x4E200, s14  }
0x8: {  	s4 =	sor.u32 s1, s2;
	s9 =	ssub.s32 $0x2, s1;
	s1 =	smul.u32 $0x27100, s1  }
0x9: {  	s24 =	simm.s32 $0x2;
	s25 =	simm.s32 $0x4;
	s3 =	smul.u32 $0x2710, s4  }
0xa: {  	s31 =	simm.s32 $0x0;
	s2 =	simm.s32 $0x0;
	s7 =	smul.u32 $0x138800, s4  }
0xb: {  	[smem:$0x7FF] =	sst s2;
	s10 =	sshrl.u32 s9, $0x1;
	s29 =	smul.u32 $0x27100, s4  }
0xc: {  	_ =	strace $0x80000047;
	s9 =	ssub.s32 s9, s10;
	s6 =	sshrl.u32 s3, $0x3  }
0xd: {  	s3 =	sadd.s32 $0xB600, s0;
	s7 =	sshrl.u32 s7, $0x3;
	s11 =	sadd.s32 $0x26200, s29  }
0xe: {  	s12 =	sadd.s32 $0x26700, s29;
	s8 =	sadd.s32 s6, s0;
	s0 =	sadd.s32 $0x59800, s0  }
0xf: {  	s7 =	sadd.s32 $0x26C00, s7;
	s5 =	sadd.s32 s5, s6;
	s30 =	sadd.s32 $0x1800, s8  }
0x10: {  	s6 =	sadd.s32 s13, s7;
	s7 =	sadd.s32 s0, s7;
	s8 =	smax.u32 s9, $0x1  }
0x11: {  	s9 =	sadd.s32 s13, s11;
	s10 =	sadd.s32 s0, s11;
	s11 =	sadd.s32 s13, s12  }
0x12: {  	s12 =	sadd.s32 s0, s12;
	s13 =	sadd.s32 s14, s13;
	s0 =	sadd.s32 s14, s0  }
0x13: {  	[dreg:$0x4] =	wrdreg s30;
	s13 =	sadd.s32 s1, s13;
	s14 =	sadd.s32 s1, s0  }
.LBB2_1:
0x14: {  	s0 =	rddreg [dreg:$0x4]  }
0x15: {  	[tilespmem:s2], [sflag:$0x5] =	stream.linear.gather [hbm4b:s0+s2], $0x2710, $0x38;
	[tilespmem:$0xEF00] =	vst v63  }
0x16: {  	_ =	swait.ge [sflag:s15], $0x2710  }
0x17: {  	[sflag:s15] =	ssyncset.done $0x0  }
0x18: {  	[sflag:s15] =	ssyncadd.s32 $0xFFFFD8F0  }
0x19: {  	[tilespmem:s16], [sflag:$0x5] =	stream.linear.gather [hbm4b:s5+s2], $0x2710, $0x38;
	[tilespmem:$0xEF00] =	vst v63  }
0x1a: {  	_ =	swait.ge [sflag:s15], $0x2710  }
0x1b: {  	[sflag:s15] =	ssyncset.done $0x0  }
0x1c: {  	[sflag:s15] =	ssyncadd.s32 $0xFFFFD8F0  }
0x1d: {  	[tilespmem:s18], [sflag:$0x1] =	stream.indirect.gather [hbm4b:s3+s17], $0x80, s2, s17, $0xb8;
	[tilespmem:$0xEF00] =	vst v63  }
0x1e: {  	_ = 	snop  }
0x1f: {  	[tilespmem:s19], [sflag:$0x3] =	stream.indirect.gather [hbm4b:s3+s17], $0x80, s16, s17, $0xb8;
	[tilespmem:$0xEF00] =	vst v63  }
0x20: {  	s30 =	simm.s32 $0x50  }
0x21: {  	[tilespmem:s20], [sflag:$0x2] =	stream.indirect.gather [hbm4b:s3+s17], $0x80, s30, s17, $0xb8;
	[tilespmem:$0xEF00] =	vst v63  }
0x22: {  	s1 =	simm.s32 $0x27D0  }
0x23: {  	[tilespmem:s21], [sflag:$0x4] =	stream.indirect.gather [hbm4b:s3+s17], $0x80, s1, s17, $0xb8;
	[tilespmem:$0xEF00] =	vst v63  }
0x24: {  	_ =	swait.ge [sflag:s22], $0x2800  }
0x25: {  	[sflag:s22] =	ssyncset.done $0x0  }
0x26: {  	[sflag:s22] =	ssyncadd.s32 $0xFFFFD800  }
0x27: {  	_ =	swait.ge [sflag:s23], $0x2800  }
0x28: {  	[sflag:s23] =	ssyncset.done $0x0  }
0x29: {  	[sflag:s23] =	ssyncadd.s32 $0xFFFFD800  }
0x2a: {  	[hbm4b:s13+s2] =	stream.linear.scatter [tilespmem:s18], [sflag:$0x5], $0x2800, $0x38;
	[tilespmem:$0xEF00] =	vst v63  }
0x2b: {  	_ =	swait.ge [sflag:s15], $0x2800  }
0x2c: {  	[sflag:s15] =	ssyncset.done $0x0  }
0x2d: {  	[sflag:s15] =	ssyncadd.s32 $0xFFFFD800  }
0x2e: {  	[hbm4b:s14+s2] =	stream.linear.scatter [tilespmem:s19], [sflag:$0x5], $0x2800, $0x38;
	[tilespmem:$0xEF00] =	vst v63  }
0x2f: {  	_ =	swait.ge [sflag:s15], $0x2800  }
0x30: {  	[sflag:s15] =	ssyncset.done $0x0  }
0x31: {  	s4 =	simm.s32 $0xA0;
	[sflag:s15] =	ssyncadd.s32 $0xFFFFD800  }
0x32: {  	[tilespmem:s18], [sflag:$0x1] =	stream.indirect.gather [hbm4b:s3+s17], $0x80, s4, s17, $0xb8;
	[tilespmem:$0xEF00] =	vst v63  }
0x33: {  	s26 =	simm.s32 $0x2820  }
0x34: {  	[tilespmem:s19], [sflag:$0x3] =	stream.indirect.gather [hbm4b:s3+s17], $0x80, s26, s17, $0xb8;
	[tilespmem:$0xEF00] =	vst v63  }
0x35: {  	_ =	swait.ge [sflag:s24], $0x2800  }
0x36: {  	[sflag:s24] =	ssyncset.done $0x0  }
0x37: {  	[sflag:s24] =	ssyncadd.s32 $0xFFFFD800  }
0x38: {  	_ =	swait.ge [sflag:s25], $0x2800  }
0x39: {  	[sflag:s25] =	ssyncset.done $0x0  }
0x3a: {  	s29 =	sadd.s32 $0x500, s13;
	[sflag:s25] =	ssyncadd.s32 $0xFFFFD800  }
0x3b: {  	[hbm4b:s29+s2] =	stream.linear.scatter [tilespmem:s20], [sflag:$0x5], $0x2800, $0x38;
	[tilespmem:$0xEF00] =	vst v63  }
0x3c: {  	_ =	swait.ge [sflag:s15], $0x2800  }
0x3d: {  	[sflag:s15] =	ssyncset.done $0x0  }
0x3e: {  	s30 =	sadd.s32 $0x500, s14;
	[sflag:s15] =	ssyncadd.s32 $0xFFFFD800  }
0x3f: {  	[hbm4b:s30+s2] =	stream.linear.scatter [tilespmem:s21], [sflag:$0x5], $0x2800, $0x38;
	[tilespmem:$0xEF00] =	vst v63  }
0x40: {  	s28 =	simm.s32 $0x500;
	s0 =	sadd.s32 $0xA00, s13;
	_ =	swait.ge [sflag:s15], $0x2800  }
0x41: {  	s1 =	sadd.s32 $0xA00, s14;
	s26 =	simm.s32 $0xA0;
	[sflag:s15] =	ssyncset.done $0x0  }
.LBB2_2:
0x42: {  	s4 =	sadd.s32 $0x50, s26  }
0x43: {  	[sflag:s15] =	ssyncadd.s32 $0xFFFFD800;
	s29 =	smov.u32 s28;
	s30 =	sadd.s32 $0x280, s28  }
0x44: {  	[tilespmem:s20], [sflag:$0x2] =	stream.indirect.gather [hbm4b:s3+s17], $0x80, s4, s17, $0xb8;
	[tilespmem:$0xEF00] =	vst v63  }
0x45: {  	p0 =	sne.s32 s28, $0x9600;
	s4 =	sadd.s32 $0x27D0, s26  }
0x46: {  	[tilespmem:s21], [sflag:$0x4] =	stream.indirect.gather [hbm4b:s3+s17], $0x80, s4, s17, $0xb8;
	[tilespmem:$0xEF00] =	vst v63  }
0x47: {  	_ =	swait.ge [sflag:s22], $0x2800  }
0x48: {  	[sflag:s22] =	ssyncset.done $0x0  }
0x49: {  	[sflag:s22] =	ssyncadd.s32 $0xFFFFD800  }
0x4a: {  	_ =	swait.ge [sflag:s23], $0x2800  }
0x4b: {  	[sflag:s23] =	ssyncset.done $0x0  }
0x4c: {  	[sflag:s23] =	ssyncadd.s32 $0xFFFFD800  }
0x4d: {  	[hbm4b:s0+s2] =	stream.linear.scatter [tilespmem:s18], [sflag:$0x5], $0x2800, $0x38;
	[tilespmem:$0xEF00] =	vst v63  }
0x4e: {  	_ =	swait.ge [sflag:s15], $0x2800  }
0x4f: {  	[sflag:s15] =	ssyncset.done $0x0  }
0x50: {  	[sflag:s15] =	ssyncadd.s32 $0xFFFFD800  }
0x51: {  	[hbm4b:s1+s2] =	stream.linear.scatter [tilespmem:s19], [sflag:$0x5], $0x2800, $0x38;
	[tilespmem:$0xEF00] =	vst v63  }
0x52: {  	_ =	swait.ge [sflag:s15], $0x2800  }
0x53: {  	[sflag:s15] =	ssyncset.done $0x0  }
0x54: {  	s4 =	sadd.s32 $0xA0, s26;
	[sflag:s15] =	ssyncadd.s32 $0xFFFFD800  }
0x55: {  	[tilespmem:s18], [sflag:$0x1] =	stream.indirect.gather [hbm4b:s3+s17], $0x80, s4, s17, $0xb8;
	[tilespmem:$0xEF00] =	vst v63  }
0x56: {  	s4 =	sadd.s32 $0x2820, s26  }
0x57: {  	[tilespmem:s19], [sflag:$0x3] =	stream.indirect.gather [hbm4b:s3+s17], $0x80, s4, s17, $0xb8;
	[tilespmem:$0xEF00] =	vst v63  }
0x58: {  	_ =	swait.ge [sflag:s24], $0x2800  }
0x59: {  	[sflag:s24] =	ssyncset.done $0x0  }
0x5a: {  	[sflag:s24] =	ssyncadd.s32 $0xFFFFD800  }
0x5b: {  	_ =	swait.ge [sflag:s25], $0x2800  }
0x5c: {  	[sflag:s25] =	ssyncset.done $0x0  }
0x5d: {  	s4 =	sadd.s32 $0x500, s0;
	[sflag:s25] =	ssyncadd.s32 $0xFFFFD800  }
0x5e: {  	[hbm4b:s4+s2] =	stream.linear.scatter [tilespmem:s20], [sflag:$0x5], $0x2800, $0x38;
	[tilespmem:$0xEF00] =	vst v63  }
0x5f: {  	_ =	swait.ge [sflag:s15], $0x2800  }
.Ltmp0:
0x60: {  	[sflag:s15] =	ssyncset.done $0x0;
	(pc) =	sbr.rel @p0 .LBB2_2-.Ltmp0, $4  }
0x61: {  	s4 =	sadd.s32 $0x500, s1;
	[sflag:s15] =	ssyncadd.s32 $0xFFFFD800  }
0x62: {  	[hbm4b:s4+s2] =	stream.linear.scatter [tilespmem:s21], [sflag:$0x5], $0x2800, $0x38;
	[tilespmem:$0xEF00] =	vst v63  }
0x63: {  	s28 =	smov.u32 s30;
	s1 =	sadd.s32 $0xA00, s1;
	_ =	swait.ge [sflag:s15], $0x2800  }
0x64: {  	s26 =	sshra.s32 s29, $0x2;
	s0 =	sadd.s32 $0xA00, s0;
	[sflag:s15] =	ssyncset.done $0x0  }
0x65: {  	s4 =	sadd.s32 $0x50, s26;
	[sflag:s15] =	ssyncadd.s32 $0xFFFFD800  }
0x66: {  	[tilespmem:s20], [sflag:$0x2] =	stream.indirect.gather [hbm4b:s3+s17], $0x80, s4, s17, $0xb8;
	[tilespmem:$0xEF00] =	vst v63  }
0x67: {  	s30 =	sadd.s32 $0x27D0, s26  }
0x68: {  	[tilespmem:s21], [sflag:$0x4] =	stream.indirect.gather [hbm4b:s3+s17], $0x80, s30, s17, $0xb8;
	[tilespmem:$0xEF00] =	vst v63  }
0x69: {  	_ =	swait.ge [sflag:s22], $0x2800  }
0x6a: {  	[sflag:s22] =	ssyncset.done $0x0  }
0x6b: {  	[sflag:s22] =	ssyncadd.s32 $0xFFFFD800  }
0x6c: {  	_ =	swait.ge [sflag:s23], $0x2800  }
0x6d: {  	[sflag:s23] =	ssyncset.done $0x0  }
0x6e: {  	[sflag:s23] =	ssyncadd.s32 $0xFFFFD800  }
0x6f: {  	[hbm4b:s0+s2] =	stream.linear.scatter [tilespmem:s18], [sflag:$0x5], $0x2800, $0x38;
	[tilespmem:$0xEF00] =	vst v63  }
0x70: {  	_ =	swait.ge [sflag:s15], $0x2800  }
0x71: {  	[sflag:s15] =	ssyncset.done $0x0  }
0x72: {  	[sflag:s15] =	ssyncadd.s32 $0xFFFFD800  }
0x73: {  	[hbm4b:s1+s2] =	stream.linear.scatter [tilespmem:s19], [sflag:$0x5], $0x2800, $0x38;
	[tilespmem:$0xEF00] =	vst v63  }
0x74: {  	_ =	swait.ge [sflag:s15], $0x2800  }
0x75: {  	[sflag:s15] =	ssyncset.done $0x0  }
0x76: {  	s28 =	sadd.s32 $0xA0, s26;
	[sflag:s15] =	ssyncadd.s32 $0xFFFFD800  }
0x77: {  	[tilespmem:s18], [sflag:$0x1] =	stream.indirect.gather [hbm4b:s3+s17], $0x80, s28, s17, $0xb8;
	[tilespmem:$0xEF00] =	vst v63  }
0x78: {  	s29 =	sadd.s32 $0x2820, s26  }
0x79: {  	[tilespmem:s19], [sflag:$0x3] =	stream.indirect.gather [hbm4b:s3+s17], $0x80, s29, s17, $0xb8;
	[tilespmem:$0xEF00] =	vst v63  }
0x7a: {  	_ =	swait.ge [sflag:s24], $0x2800  }
0x7b: {  	[sflag:s24] =	ssyncset.done $0x0  }
0x7c: {  	[sflag:s24] =	ssyncadd.s32 $0xFFFFD800  }
0x7d: {  	_ =	swait.ge [sflag:s25], $0x2800  }
0x7e: {  	[sflag:s25] =	ssyncset.done $0x0  }
0x7f: {  	s30 =	sadd.s32 $0x500, s0;
	[sflag:s25] =	ssyncadd.s32 $0xFFFFD800  }
0x80: {  	[hbm4b:s30+s2] =	stream.linear.scatter [tilespmem:s20], [sflag:$0x5], $0x2800, $0x38;
	[tilespmem:$0xEF00] =	vst v63  }
0x81: {  	_ =	swait.ge [sflag:s15], $0x2800  }
0x82: {  	[sflag:s15] =	ssyncset.done $0x0  }
0x83: {  	s4 =	sadd.s32 $0x500, s1;
	[sflag:s15] =	ssyncadd.s32 $0xFFFFD800  }
0x84: {  	[hbm4b:s4+s2] =	stream.linear.scatter [tilespmem:s21], [sflag:$0x5], $0x2800, $0x38;
	[tilespmem:$0xEF00] =	vst v63  }
0x85: {  	_ =	swait.ge [sflag:s15], $0x2800  }
0x86: {  	[sflag:s15] =	ssyncset.done $0x0  }
0x87: {  	s26 =	simm.s32 $0x2670;
	[sflag:s15] =	ssyncadd.s32 $0xFFFFD800  }
0x88: {  	[tilespmem:s20], [sflag:$0x2] =	stream.indirect.gather [hbm4b:s3+s17], $0x80, s26, s17, $0xb8;
	[tilespmem:$0xEF00] =	vst v63  }
0x89: {  	s28 =	simm.s32 $0x4DF0  }
0x8a: {  	[tilespmem:s21], [sflag:$0x4] =	stream.indirect.gather [hbm4b:s3+s17], $0x80, s28, s17, $0xb8;
	[tilespmem:$0xEF00] =	vst v63  }
0x8b: {  	_ =	swait.ge [sflag:s22], $0x2800  }
0x8c: {  	[sflag:s22] =	ssyncset.done $0x0  }
0x8d: {  	[sflag:s22] =	ssyncadd.s32 $0xFFFFD800  }
0x8e: {  	_ =	swait.ge [sflag:s23], $0x2800  }
0x8f: {  	[sflag:s23] =	ssyncset.done $0x0  }
0x90: {  	[sflag:s23] =	ssyncadd.s32 $0xFFFFD800  }
0x91: {  	[hbm4b:s9+s2] =	stream.linear.scatter [tilespmem:s18], [sflag:$0x5], $0x2800, $0x38;
	[tilespmem:$0xEF00] =	vst v63  }
0x92: {  	_ =	swait.ge [sflag:s15], $0x2800  }
0x93: {  	[sflag:s15] =	ssyncset.done $0x0  }
0x94: {  	[sflag:s15] =	ssyncadd.s32 $0xFFFFD800  }
0x95: {  	[hbm4b:s10+s2] =	stream.linear.scatter [tilespmem:s19], [sflag:$0x5], $0x2800, $0x38;
	[tilespmem:$0xEF00] =	vst v63  }
0x96: {  	_ =	swait.ge [sflag:s15], $0x2800  }
0x97: {  	[sflag:s15] =	ssyncset.done $0x0  }
0x98: {  	[sflag:s15] =	ssyncadd.s32 $0xFFFFD800  }
0x99: {  	_ =	swait.ge [sflag:s24], $0x2800  }
0x9a: {  	[sflag:s24] =	ssyncset.done $0x0  }
0x9b: {  	[sflag:s24] =	ssyncadd.s32 $0xFFFFD800  }
0x9c: {  	_ =	swait.ge [sflag:s25], $0x2800  }
0x9d: {  	[sflag:s25] =	ssyncset.done $0x0  }
0x9e: {  	[sflag:s25] =	ssyncadd.s32 $0xFFFFD800  }
0x9f: {  	[hbm4b:s11+s2] =	stream.linear.scatter [tilespmem:s20], [sflag:$0x5], $0x2800, $0x38;
	[tilespmem:$0xEF00] =	vst v63  }
0xa0: {  	_ =	swait.ge [sflag:s15], $0x2800  }
0xa1: {  	[sflag:s15] =	ssyncset.done $0x0  }
0xa2: {  	[sflag:s15] =	ssyncadd.s32 $0xFFFFD800  }
0xa3: {  	[hbm4b:s12+s2] =	stream.linear.scatter [tilespmem:s21], [sflag:$0x5], $0x2800, $0x38;
	[tilespmem:$0xEF00] =	vst v63  }
0xa4: {  	_ =	swait.ge [sflag:s15], $0x2800  }
0xa5: {  	[sflag:s15] =	ssyncset.done $0x0  }
0xa6: {  	s29 =	simm.s32 $0x26C0;
	[sflag:s15] =	ssyncadd.s32 $0xFFFFD800  }
0xa7: {  	[tilespmem:s18], [sflag:$0x1] =	stream.indirect.gather [hbm4b:s3+s17], $0x80, s29, s17, $0xb8;
	[tilespmem:$0xEF00] =	vst v63  }
0xa8: {  	s30 =	simm.s32 $0x4E40  }
0xa9: {  	[tilespmem:s19], [sflag:$0x3] =	stream.indirect.gather [hbm4b:s3+s17], $0x80, s30, s17, $0xb8;
	[tilespmem:$0xEF00] =	vst v63  }
0xaa: {  	_ =	swait.ge [sflag:s22], $0x2800  }
0xab: {  	[sflag:s22] =	ssyncset.done $0x0  }
0xac: {  	[sflag:s22] =	ssyncadd.s32 $0xFFFFD800  }
0xad: {  	_ =	swait.ge [sflag:s23], $0x2800  }
0xae: {  	[sflag:s23] =	ssyncset.done $0x0  }
0xaf: {  	[sflag:s23] =	ssyncadd.s32 $0xFFFFD800  }
0xb0: {  	[hbm4b:s6+s2] =	stream.linear.scatter [tilespmem:s18], [sflag:$0x5], $0x2800, $0x38;
	[tilespmem:$0xEF00] =	vst v63  }
0xb1: {  	s31 =	sadd.s32 $0x1, s31;
	_ =	swait.ge [sflag:s15], $0x2800  }
0xb2: {  	p0 =	sne.s32 s31, s8;
	[sflag:s15] =	ssyncset.done $0x0  }
.Ltmp1:
0xb3: {  	[sflag:s15] =	ssyncadd.s32 $0xFFFFD800;
	(pc) =	sbr.rel @p0 .LBB2_1-.Ltmp1, $4  }
0xb4: {  	[hbm4b:s7+s2] =	stream.linear.scatter [tilespmem:s19], [sflag:$0x5], $0x2800, $0x38;
	[tilespmem:$0xEF00] =	vst v63  }
0xb5: {  	_ =	swait.ge [sflag:s15], $0x2800  }
0xb6: {  	[sflag:s15] =	ssyncset.done $0x0  }
0xb7: {  	[sflag:s15] =	ssyncadd.s32 $0xFFFFD800  }
0xb8: {  	_ =	sfence.sel $0x180000  }
0xb9: {  	[bflag:$0x0] =	sbarrier.arrive $0xFFFF  }
0xba: {  	_ =	strace $0x90000047  }
0xbb: {  	s0 =	stileid.u32;
	[bflag:$0x2] =	sbarrier.arrive $0xFFFF  }
0xbc: {  	p0 =	sne.s32 s0, $0x0;
	s0 =	rddreg [dreg:$0x3]  }
0xbd: {  	s0 =	sadd.s32 @!p0 $0x100000, s0  }
0xbe: {  	[sflag:s0] =	ssyncadd.tile.s32 @!p0 $0x1;
	_ =	shalt  }
.Lfunc_end2:
_tile_overlayer_lowered:
.L_overlay_start_2:
0xbf: {  	(tag) =	ssettag $0x2  }
0xc0: {  	s0 =	rddreg [dreg:$0x0];
	s2 =	stileid.u32  }
0xc1: {  	s1 =	rddreg [dreg:$0x1];
	p0 =	sne.s32 s2, $0x0  }
0xc2: {  	s3 =	rddreg [dreg:$0x2];
	[bflag:$0x3] =	sbarrier.arrive $0xFFFF;
	s2 =	simm.s32 @!p0 $0x1C05  }
0xc3: {  	[timem:s3], [sflag:s2] =	dma.local @!p0 [hbm:s0], s1  }
0xc4: {  	s0 =	simm.s32 @!p0 $0x5  }
0xc5: {  	_ =	swait.ge @!p0 [sflag:s0], s1  }
0xc6: {  	s1 =	ssub.s32 @!p0 $0x0, s1;
	[sflag:s0] =	ssyncset.done @!p0 $0x0  }
0xc7: {  	[sflag:s0] =	ssyncadd.s32 @!p0 s1  }
0xc8: {  	[bflag:$0x3] =	sbarrier.arrive $0xFFFF  }
0xc9: {  	_ =	shalt  }

// kernel: kernel.13.cloned.1.call-start
scs
__scs_entry_jumppad:
0x0: {  	(pc) =	sbr.rel $0x88, $3  }
0x1: {  	(tag) =	ssettag $0x0;
	lr =	simm.s32 $0x1  }
0x2: {  	[smem:$0x3F99] =	sst lr;
	_ =	strace $0xD0000000  }
0x3: {  	_ = 	snop  }
0x4: {  	_ = 	snop  }
0x5: {  	_ = 	snop  }
0x6: {  	_ = 	snop  }
0x7: {  	_ = 	snop  }
__scs_overlays_trampoline_lowered:
0x8: {  	[smem:$0x3FA8] =	sst s0  }
0x9: {  	[smem:$0x3FA9] =	sst s1  }
0xa: {  	[smem:$0x3FAA] =	sst s2  }
0xb: {  	[smem:$0x3FAB] =	sst s3  }
0xc: {  	[smem:$0x3FAC] =	sst s4  }
0xd: {  	[smem:$0x3FAD] =	sst s5  }
0xe: {  	[smem:$0x3FAE] =	sst s6  }
0xf: {  	[smem:$0x3FAF] =	sst s7  }
0x10: {  	[smem:$0x3FB0] =	sst s8  }
0x11: {  	[smem:$0x3FB1] =	sst s9;
	s0 =	simm.s32 @!p0 $0x0  }
0x12: {  	s1 =	sld [smem:$0x3F97];
	s0 =	simm.s32 @p0 $0x1  }
0x13: {  	[smem:$0x3FB2] =	sst s0;
	s0 =	simm.s32 @!p1 $0x0  }
0x14: {  	s2 =	sld [smem:$0x3F96];
	s0 =	simm.s32 @p1 $0x1  }
0x15: {  	[smem:$0x3FB3] =	sst s0;
	s0 =	simm.s32 @!p2 $0x0  }
0x16: {  	s3 =	sld [smem:$0x3FDB];
	s0 =	simm.s32 @p2 $0x1  }
0x17: {  	s4 =	simm.s32 $0x1BF5;
	[smem:$0x3FB5] =	sst s0  }
0x18: {  	s0 =	sld [smem:$0x3F98];
	_ =	swait.ge [sflag:s4], $0x0  }
0x19: {  	s7 =	sld [smem:$0x3F99]  }
0x1a: {  	s8 =	sadd.s32 $0xFFFFE003, lr  }
0x1b: {  	s9 =	sadd.s32 $0xFFFFFEF7, lr;
	s5 =	simm.s32 $0xFFFFFFFF;
	p2 =	slt.u32 s8, $0xFFFFF086  }
0x1c: {  	p1 =	slt.u32 s9, $0xF7A;
	s5 =	simm.s32 @!p2 $0x0  }
0x1d: {  	s5 =	simm.s32 @p1 $0x1;
	p0 =	seq.s32 s7, s2  }
0x1e: {  	s7 =	smul.u32 @!p0 $0xF7A, s2;
	p2 =	seq.s32 @!p0 s5, $0x0  }
0x1f: {  	s9 =	smul.u32 $0xF7A, s1;
	s8 =	simm.s32 @!p0 $0x1BF5;
	p2 =	por !p2, p0  }
0x20: {  	[sflag:s8] =	ssyncset.s32 @!p0 $0xFFFFF086;
	s6 =	sadd.s32 @!p0 s3, s7;
	s7 =	simm.s32 @!p0 $0x108  }
0x21: {  	s3 =	sadd.s32 s3, s9;
	s6 =	sadd.s32 @!p0 $0x88, s6;
	s7 =	simm.s32 @p2 $0x1082  }
0x22: {  	[simem:s7], [sflag:s8] =	dma.local @!p0 [hbm:s6], $0xF7A  }
0x23: {  	s9 =	sor.u32 $0xD0000000, s2;
	s6 =	simm.s32 $0x108;
	_ =	swait.ge @!p0 [sflag:s8], $0x0  }
0x24: {  	s3 =	sadd.s32 $0x88, s3;
	s6 =	simm.s32 @!p1 $0x1082;
	[sflag:s4] =	ssyncset.s32 $0xFFFFF086  }
0x25: {  	[simem:s6], [sflag:s4] =	dma.local [hbm:s3], $0xF7A  }
0x26: {  	[smem:$0x3F99] =	sst s1;
	(tag) =	ssettag s2;
	_ =	strace s9  }
0x27: {  	s1 =	sld [smem:$0x3FA9]  }
0x28: {  	s2 =	sld [smem:$0x3FAA]  }
0x29: {  	s4 =	sld [smem:$0x3FAC]  }
0x2a: {  	p0 =	seq.s32 s5, $0x0;
	s5 =	sld [smem:$0x3FAD]  }
0x2b: {  	s6 =	sld [smem:$0x3FAE]  }
0x2c: {  	s7 =	sld [smem:$0x3FAF]  }
0x2d: {  	s3 =	simm.s32 $0x108;
	s8 =	sld [smem:$0x3FB0]  }
0x2e: {  	s3 =	simm.s32 @!p0 $0x1082;
	s9 =	sld [smem:$0x3FB1]  }
0x2f: {  	lr =	sadd.s32 s0, s3;
	s0 =	sld [smem:$0x3FA8]  }
0x30: {  	s3 =	sld [smem:$0x3FAB]  }
0x31: {  	[smem:$0x3FB4] =	sst s10  }
0x32: {  	s10 =	sld [smem:$0x3FB2];
	_ =	sdelay $0x3  }
0x33: {  	p0 =	seq.s32 s10, $0x1;
	s10 =	sld [smem:$0x3FB4];
	_ =	sdelay $0x3  }
0x34: {  	[smem:$0x3FB4] =	sst s10  }
0x35: {  	s10 =	sld [smem:$0x3FB3];
	_ =	sdelay $0x3  }
0x36: {  	p1 =	seq.s32 s10, $0x1;
	s10 =	sld [smem:$0x3FB4];
	_ =	sdelay $0x3  }
0x37: {  	[smem:$0x3FB4] =	sst s10  }
0x38: {  	s10 =	sld [smem:$0x3FB5]  }
0x39: {  	_ = 	snop;
	(pc) =	sbr.ind lr, $3  }
0x3a: {  	_ = 	snop  }
0x3b: {  	_ = 	snop  }
0x3c: {  	p2 =	seq.s32 s10, $0x1;
	s10 =	sld [smem:$0x3FB4]  }
0x3d: {  	_ =	shalt  }
0x3e: {  	_ =	shalt  }
0x3f: {  	_ =	shalt  }
0x40: {  	_ =	shalt  }
0x41: {  	_ =	shalt  }
0x42: {  	_ =	shalt  }
0x43: {  	_ =	shalt  }
0x44: {  	_ =	shalt  }
0x45: {  	_ =	shalt  }
0x46: {  	_ =	shalt  }
0x47: {  	_ =	shalt  }
0x48: {  	_ =	shalt  }
0x49: {  	_ =	shalt  }
0x4a: {  	_ =	shalt  }
0x4b: {  	_ =	shalt  }
0x4c: {  	_ =	shalt  }
0x4d: {  	_ =	shalt  }
0x4e: {  	_ =	shalt  }
0x4f: {  	_ =	shalt  }
0x50: {  	_ =	shalt  }
0x51: {  	_ =	shalt  }
0x52: {  	_ =	shalt  }
0x53: {  	_ =	shalt  }
0x54: {  	_ =	shalt  }
0x55: {  	_ =	shalt  }
0x56: {  	_ =	shalt  }
0x57: {  	_ =	shalt  }
0x58: {  	_ =	shalt  }
0x59: {  	_ =	shalt  }
0x5a: {  	_ =	shalt  }
0x5b: {  	_ =	shalt  }
0x5c: {  	_ =	shalt  }
0x5d: {  	_ =	shalt  }
0x5e: {  	_ =	shalt  }
0x5f: {  	_ =	shalt  }
0x60: {  	_ =	shalt  }
0x61: {  	_ =	shalt  }
0x62: {  	_ =	shalt  }
0x63: {  	_ =	shalt  }
0x64: {  	_ =	shalt  }
0x65: {  	_ =	shalt  }
0x66: {  	_ =	shalt  }
0x67: {  	_ =	shalt  }
0x68: {  	_ =	shalt  }
0x69: {  	_ =	shalt  }
0x6a: {  	_ =	shalt  }
0x6b: {  	_ =	shalt  }
0x6c: {  	_ =	shalt  }
0x6d: {  	_ =	shalt  }
0x6e: {  	_ =	shalt  }
0x6f: {  	_ =	shalt  }
0x70: {  	_ =	shalt  }
0x71: {  	_ =	shalt  }
0x72: {  	_ =	shalt  }
0x73: {  	_ =	shalt  }
0x74: {  	_ =	shalt  }
0x75: {  	_ =	shalt  }
0x76: {  	_ =	shalt  }
0x77: {  	_ =	shalt  }
0x78: {  	_ =	shalt  }
0x79: {  	_ =	shalt  }
0x7a: {  	_ =	shalt  }
0x7b: {  	_ =	shalt  }
0x7c: {  	_ =	shalt  }
0x7d: {  	_ =	shalt  }
0x7e: {  	_ =	shalt  }
0x7f: {  	_ =	shalt  }
0x80: {  	_ =	shalt  }
0x81: {  	_ =	shalt  }
0x82: {  	_ =	shalt  }
0x83: {  	_ =	shalt  }
0x84: {  	_ =	shalt  }
0x85: {  	_ =	shalt  }
0x86: {  	_ =	shalt  }
0x87: {  	_ =	shalt  }
.Lfunc_end0:
.L_simem_size_0:
called_computation.1_lowered:
.L_overlay_start_0:
0x88: {  	s2 =	sld [smem:$0x3FD9]  }
0x89: {  	s3 =	sld [smem:$0x3FFE];
	_ =	sdelay $0x1  }
0x8a: {  	s1 =	srdreg.scid  }
0x8b: {  	s0 =	sand.u32 $0x1, s1  }
0x8c: {  	s17 =	sshll.u32 s0, $0xA;
	s2 =	sadd.s32 s3, s2  }
0x8d: {  	s2 =	sadd.s32 s2, s17  }
0x8e: {  	[smem:$0x3FC0] =	sst s2  }
0x8f: {  	_ = 	snop  }
0x90: {  	(tm) =	ssettm $0x1  }
0x91: {  	s18 =	sld [smem:$0x3FFB];
	_ =	sdelay $0x3  }
0x92: {  	_ =	strace s18  }
0x93: {  	s2 =	sld [smem:$0x3FFC];
	_ =	sdelay $0x3  }
0x94: {  	_ =	strace s2  }
0x95: {  	s2 =	sld [smem:$0x3FFD];
	_ =	sdelay $0x3  }
0x96: {  	_ =	strace s2  }
0x97: {  	_ =	strace $0x8FFFFFFF  }
0x98: {  	s19 =	sld [smem:$0x3FDB];
	_ =	sdelay $0x1  }
0x99: {  	s20 =	simm.s32 $_scs_section_size  }
0x9a: {  	s4 =	simm.s32 $_size__tile_overlayer_lowered;
	s5 =	simm.s32 $_tile_overlayer_lowered  }
0x9b: {  	s6 =	simm.s32 $0x1BFF;
	s21 =	sshll.u32 s5, $0x1;
	s3 =	sadd.s32 s20, s19  }
0x9c: {  	s22 =	simm.s32 $0x0;
	s4 =	sshll.u32 s4, $0x1;
	s5 =	sadd.s32 s21, s3  }
0x9d: {  	[timem:s22], [sflag:s6] =	dma.local [hbm:s5], s4  }
0x9e: {  	_ =	swait.ge [sflag:s6], s4  }
0x9f: {  	s4 =	ssub.s32 $0x0, s4;
	[sflag:s6] =	ssyncset.done $0x0  }
0xa0: {  	[sflag:s6] =	ssyncadd.s32 s4;
	_ =	sdelay $0x1  }
0xa1: {  	s23 =	simm.s32 $0x1B8B  }
0xa2: {  	_ =	swait.ge [sflag:s23], $0x1  }
0xa3: {  	[sflag:s23] =	ssyncset.done $0x0  }
0xa4: {  	[sflag:s23] =	ssyncadd.s32 $0xFFFFFFFF  }
0xa5: {  	s4 =	sld [smem:$0x0]  }
0xa6: {  	s5 =	sand.u32 $0xFFFFFFFE, s1  }
0xa7: {  	p0 =	sne.s32 s1, s5  }
0xa8: {  	s5 =	sshll.u32 @p0 s5, $0xE  }
0xa9: {  	s5 =	sadd.s32 @p0 $0x11B8D, s5;
	s6 =	sshll.u32 @p0 s4, $0x11  }
0xaa: {  	s5 =	sor.u32 @p0 s6, s5  }
0xab: {  	[sflag:s5] =	ssyncadd.remote.s32 @p0 $0x1;
	_ =	sdelay $0x1  }
0xac: {  	s5 =	simm.s32 @p0 $0x1B8D  }
0xad: {  	_ =	swait.eq @p0 [sflag:s5], $0x1  }
0xae: {  	[sflag:s5] =	ssyncadd.s32 @p0 $0xFFFFFFFF  }
0xaf: {  	s6 =	sshll.u32 @!p0 s1, $0xE  }
0xb0: {  	s6 =	sor.u32 @!p0 $0x4000, s6;
	s5 =	simm.s32 @!p0 $0x1B8D  }
0xb1: {  	s4 =	sshll.u32 @!p0 s4, $0x11;
	s6 =	sadd.s32 @!p0 $0x11B8D, s6;
	_ =	swait.eq @!p0 [sflag:s5], $0x1  }
0xb2: {  	s4 =	sor.u32 @!p0 s4, s6;
	[sflag:s5] =	ssyncadd.s32 @!p0 $0xFFFFFFFF  }
0xb3: {  	s25 =	simm.s32 $0x1B8E;
	s24 =	sld [smem:$0x3FFE];
	[sflag:s4] =	ssyncadd.remote.s32 @!p0 $0x1  }
0xb4: {  	s26 =	simm.s32 $execute0_lowered;
	[smem:$0x3FD2] =	sst s25  }
0xb5: {  	s5 =	sshll.u32 s26, $0x1;
	_ =	strace $0x80000049;
	[dreg:$0x1] =	wrdreg $0xFFFFFFFF  }
0xb6: {  	s28 =	simm.s32 $_size_execute0_lowered;
	s3 =	sadd.s32 s3, s5;
	[dreg:$0x0] =	wrdreg $0x0  }
0xb7: {  	s5 =	sshll.u32 s28, $0x1;
	[dreg:$0x2] =	wrdreg s3  }
0xb8: {  	[dreg:$0x3] =	wrdreg s5  }
0xb9: {  	[dreg:$0x4] =	wrdreg $0xC0  }
0xba: {  	_ =	task [dreg:s22], $0x5FFFF  }
0xbb: {  	[dreg:$0x1] =	wrdreg $0xFFFFFFFF  }
0xbc: {  	[dreg:$0x0] =	wrdreg $0x60  }
0xbd: {  	[dreg:$0x2] =	wrdreg s24  }
0xbe: {  	[dreg:$0x3] =	wrdreg $0x11E800  }
0xbf: {  	[dreg:$0x4] =	wrdreg $0x1C2800  }
0xc0: {  	[dreg:$0x5] =	wrdreg $0x9  }
0xc1: {  	_ =	task.clear_ibuf [dreg:s22], $0x6FFFF;
	_ =	strace $0x90000049  }
0xc2: {  	s29 =	simm.s32 $0x9;
	_ =	strace $0x8000004B  }
0xc3: {  	_ =	swait.ge [sflag:s29], $0x1  }
0xc4: {  	[sflag:s29] =	ssyncadd.s32 $0xFFFFFFFF  }
0xc5: {  	_ =	strace $0x9000004B  }
0xc6: {  	_ =	sfence  }
0xc7: {  	s30 =	sld [smem:$0x0];
	_ =	sdelay $0x2  }
0xc8: {  	s31 =	sshll.u32 s1, $0xD;
	s1 =	sshrl.u32 s1, $0x2  }
0xc9: {  	s4 =	sand.u32 $0x4000, s31;
	s1 =	sadd.s32 s1, s30  }
0xca: {  	s0 =	sor.u32 s4, s0;
	s1 =	sshll.u32 s1, $0x11  }
0xcb: {  	s0 =	sor.u32 s1, s0  }
0xcc: {  	s0 =	sadd.s32 $0x8F2B, s0  }
0xcd: {  	[sflag:s0] =	ssyncadd.remote.s32 $0x1  }
0xce: {  	_ =	sfence.sel $0xFFFF  }
0xcf: {  	[dreg:$0x0] =	wrdreg $0xFFFFFFFF;
	(pc) =	sbr.abs _section_cstart, $3  }
0xd0: {  	[dreg:$0x1] =	wrdreg $0xFFFFFFFF  }
0xd1: {  	_ =	task.clear_ibuf [dreg:s22], $0x2FFFF;
	_ =	strace $0x9FFFFFFF  }
0xd2: {  	(tm) =	ssettm $0x7FFFFFFF  }
0xd3: {  	_ =	shalt  }
tec
execute0_lowered:
.L_overlay_start_1:
0x0: {  	(tag) =	ssettag $0x1  }
0x1: {  	s6 =	rddreg [dreg:$0x0]  }
0x2: {  	s0 =	rddreg [dreg:$0x1]  }
0x3: {  	s10 =	stileid.u32;
	s1 =	srdreg.scid  }
0x4: {  	s2 =	rddreg [dreg:$0x2];
	s3 =	simm.s32 $0x0;
	s14 =	simm.s32 $0xF680  }
0x5: {  	s15 =	simm.s32 $0x1;
	s16 =	simm.s32 $0x50;
	s17 =	simm.s32 $0x2  }
0x6: {  	s19 =	simm.s32 $0xCB00;
	s20 =	simm.s32 $0x0;
	s4 =	smul.u32 $0x9C4, s10  }
0x7: {  	s7 =	sand.u32 $0x1, s1;
	s1 =	rddreg [dreg:$0x3];
	s8 =	smul.u32 $0xA400, s10  }
0x8: {  	[smem:$0x7FF] =	sst s3;
	s12 =	smul.u32 $0x29000, s10;
	s31 =	sshll.u32 s10, $0x6  }
0x9: {  	p0 =	sne.s32 s10, $0x0;
	s5 =	smul.u32 $0xA4000, s7;
	_ =	strace $0x8000004A  }
0xa: {  	s11 =	ssub.s32 $0x2, s7;
	s18 =	smul.u32 $0xFFFFEC00, s7;
	s9 =	sadd.s32 s4, s6  }
0xb: {  	s4 =	sadd.s32 $0x53B800, s6;
	s29 =	sshrl.u32 s11, $0x1;
	s30 =	sshrl.u32 s12, $0x2  }
0xc: {  	s12 =	sshrl.u32 @!p0 s2, $0x3;
	s5 =	sadd.s32 s8, s5;
	s11 =	ssub.s32 s11, s29  }
0xd: {  	s13 =	sadd.s32 s30, s0;
	s7 =	sadd.s32 $0x1800, s9;
	v0 =	vmov s18;
	s18 =	simm.s32 $0xCA80  }
0xe: {  	s8 =	sshrl.u32 s5, $0x3;
	s5 =	sadd.s32 $0x53BE00, s6;
	s9 =	smax.u32 s11, $0x1  }
0xf: {  	s10 =	sshrl.u32 s13, $0x3;
	s11 =	simm.s32 $0x3;
	s8 =	sadd.s32 s8, s6  }
0x10: {  	s13 =	simm.s32 $0xCE80;
	s6 =	sor.u32 $0x1C03, s31;
	s8 =	sadd.s32 $0x53D400, s8  }
.LBB2_1:
0x11: {  	[spmem:s10], [sflag:s6] =	dma.local [hbm:s5], $0x1480  }
0x12: {  	_ =	swait.ge [sflag:s11], $0x1480  }
0x13: {  	[sflag:s11] =	ssyncset.done $0x0  }
0x14: {  	s21 =	simm.s32 @!p0 $0x3;
	[sflag:s11] =	ssyncadd.s32 $0xFFFFEB80  }
0x15: {  	[spmem:s12], [sflag:s6] =	dma.local @!p0 [hbm:s4], $0x500  }
0x16: {  	_ =	swait.ge @!p0 [sflag:s21], $0x500  }
0x17: {  	[sflag:s21] =	ssyncset.done @!p0 $0x0  }
0x18: {  	[sflag:s21] =	ssyncadd.s32 @!p0 $0xFFFFFB00  }
0x19: {  	[tilespmem:s3], [sflag:$0x3] =	stream.linear.gather [hbm4b:s7+s3], $0x4E20, $0x38;
	[tilespmem:$0x1C500] =	vst v63  }
0x1a: {  	_ =	swait.ge [sflag:s11], $0x4E20  }
0x1b: {  	[sflag:s11] =	ssyncset.done $0x0  }
0x1c: {  	s21 =	simm.s32 $0x20;
	[sflag:s11] =	ssyncadd.s32 $0xFFFFB1E0  }
0x1d: {  	s22 =	simm.s32 $0x200;
	s23 =	simm.s32 $0x0;
	v1 =	vld [tilespmem:s21+$0xFFFFFFE0]  }
.LBB2_2:
0x1e: {  	p1 =	sne.s32 s22, $0x1F200;
	_ =	sdelay $0x3  }
0x1f: {  	v1 =	vadd.s32 v0, v1  }
0x20: {  	s24 =	sshra.s32 s23, $0x2;
	s23 =	smov.u32 s22;
	v1 =	vmin.u32 v1, $0x1400  }
0x21: {  	[tilespmem:s24+$0x4E80] =	vst v1  }
0x22: {  	v1 =	vld [tilespmem:s21+$0xFFFFFFF0];
	_ =	sdelay $0x4  }
0x23: {  	v1 =	vadd.s32 v0, v1  }
0x24: {  	v1 =	vmin.u32 v1, $0x1400  }
0x25: {  	[tilespmem:s24+$0x4E90] =	vst v1  }
0x26: {  	v1 =	vld [tilespmem:s21+$0x0];
	_ =	sdelay $0x4  }
0x27: {  	v1 =	vadd.s32 v0, v1  }
0x28: {  	v1 =	vmin.u32 v1, $0x1400  }
0x29: {  	[tilespmem:s24+$0x4EA0] =	vst v1  }
0x2a: {  	v1 =	vld [tilespmem:s21+$0x10];
	_ =	sdelay $0x4  }
0x2b: {  	v1 =	vadd.s32 v0, v1  }
0x2c: {  	v1 =	vmin.u32 v1, $0x1400  }
0x2d: {  	[tilespmem:s24+$0x4EB0] =	vst v1  }
0x2e: {  	v1 =	vld [tilespmem:s21+$0x20];
	_ =	sdelay $0x3  }
.Ltmp0:
0x2f: {  	(pc) =	sbr.rel @p1 .LBB2_2-.Ltmp0, $4  }
0x30: {  	v1 =	vadd.s32 v0, v1  }
0x31: {  	v1 =	vmin.u32 v1, $0x1400  }
0x32: {  	s21 =	sadd.s32 $0x50, s21;
	[tilespmem:s24+$0x4EC0] =	vst v1  }
0x33: {  	s22 =	sadd.s32 $0x200, s22;
	v1 =	vld [tilespmem:s21+$0xFFFFFFE0]  }
0x34: {  	_ =	sdelay $0x3  }
0x35: {  	v1 =	vadd.s32 v0, v1  }
0x36: {  	s22 =	sshra.s32 s23, $0x2;
	v1 =	vmin.u32 v1, $0x1400  }
0x37: {  	[tilespmem:s22+$0x4E80] =	vst v1  }
0x38: {  	v1 =	vld [tilespmem:s21+$0xFFFFFFF0];
	_ =	sdelay $0x4  }
0x39: {  	v1 =	vadd.s32 v0, v1  }
0x3a: {  	v1 =	vmin.u32 v1, $0x1400  }
0x3b: {  	[tilespmem:s22+$0x4E90] =	vst v1  }
0x3c: {  	v1 =	vld [tilespmem:s21+$0x0];
	_ =	sdelay $0x4  }
0x3d: {  	v1 =	vadd.s32 v0, v1  }
0x3e: {  	v1 =	vmin.u32 v1, $0x1400  }
0x3f: {  	[tilespmem:s22+$0x4EA0] =	vst v1  }
0x40: {  	v1 =	vld [tilespmem:s21+$0x10];
	_ =	sdelay $0x4  }
0x41: {  	v1 =	vadd.s32 v0, v1  }
0x42: {  	v1 =	vmin.u32 v1, $0x1400  }
0x43: {  	[tilespmem:s22+$0x4EB0] =	vst v1  }
0x44: {  	v1 =	vld [tilespmem:s21+$0x20];
	_ =	sdelay $0x4  }
0x45: {  	v1 =	vadd.s32 v0, v1  }
0x46: {  	v1 =	vmin.u32 v1, $0x1400  }
0x47: {  	[tilespmem:s22+$0x4EC0] =	vst v1  }
0x48: {  	[bflag:$0x0] =	sbarrier.arrive $0xFFFF  }
0x49: {  	[tilespmem:s13], [sflag:$0x1] =	stream.linear.gather [spmem:s2], $0x2800, $0x38;
	[tilespmem:$0x1C500] =	vst v63  }
0x4a: {  	_ = 	snop  }
0x4b: {  	[tilespmem:s14], [sflag:$0x2] =	stream.linear.gather [spmem:s2], $0x2800, $0x38;
	[tilespmem:$0x1C500] =	vst v63  }
0x4c: {  	_ =	swait.ge [sflag:s15], $0x2800  }
0x4d: {  	[sflag:s15] =	ssyncset.done $0x0  }
0x4e: {  	s30 =	simm.s32 $0x4E80;
	[sflag:s15] =	ssyncadd.s32 $0xFFFFD800  }
0x4f: {  	[spmem:s0] =	stream.indirect.scatter.add.f32 [tilespmem:s13], [sflag:$0x3], $0x80, s30, s16, $0xb8;
	[tilespmem:$0x1C500] =	vst v63  }
0x50: {  	_ =	swait.ge [sflag:s11], $0x2800  }
0x51: {  	[sflag:s11] =	ssyncset.done $0x0  }
0x52: {  	[sflag:s11] =	ssyncadd.s32 $0xFFFFD800  }
0x53: {  	[tilespmem:s13], [sflag:$0x1] =	stream.linear.gather [spmem:s2], $0x2800, $0x38;
	[tilespmem:$0x1C500] =	vst v63  }
0x54: {  	_ =	swait.ge [sflag:s17], $0x2800  }
0x55: {  	[sflag:s17] =	ssyncset.done $0x0  }
0x56: {  	s31 =	simm.s32 $0x4F00;
	[sflag:s17] =	ssyncadd.s32 $0xFFFFD800  }
0x57: {  	[spmem:s0] =	stream.indirect.scatter.add.f32 [tilespmem:s14], [sflag:$0x3], $0x80, s31, s16, $0xb8;
	[tilespmem:$0x1C500] =	vst v63  }
0x58: {  	_ =	swait.ge [sflag:s11], $0x2800  }
0x59: {  	s21 =	simm.s32 $0x400;
	[sflag:s11] =	ssyncset.done $0x0  }
.LBB2_4:
0x5a: {  	p1 =	sne.s32 s21, $0x1EC00  }
0x5b: {  	[sflag:s11] =	ssyncadd.s32 $0xFFFFD800;
	s22 =	smov.u32 s21;
	s21 =	sadd.s32 $0x400, s21  }
0x5c: {  	[tilespmem:s14], [sflag:$0x2] =	stream.linear.gather [spmem:s2], $0x2800, $0x38;
	[tilespmem:$0x1C500] =	vst v63  }
0x5d: {  	_ =	swait.ge [sflag:s15], $0x2800  }
0x5e: {  	s22 =	sshra.s32 s22, $0x2;
	[sflag:s15] =	ssyncset.done $0x0  }
0x5f: {  	s23 =	sadd.s32 $0x4E80, s22;
	[sflag:s15] =	ssyncadd.s32 $0xFFFFD800  }
0x60: {  	[spmem:s0] =	stream.indirect.scatter.add.f32 [tilespmem:s13], [sflag:$0x3], $0x80, s23, s16, $0xb8;
	[tilespmem:$0x1C500] =	vst v63  }
0x61: {  	_ =	swait.ge [sflag:s11], $0x2800  }
0x62: {  	[sflag:s11] =	ssyncset.done $0x0  }
0x63: {  	[sflag:s11] =	ssyncadd.s32 $0xFFFFD800  }
0x64: {  	[tilespmem:s13], [sflag:$0x1] =	stream.linear.gather [spmem:s2], $0x2800, $0x38;
	[tilespmem:$0x1C500] =	vst v63  }
0x65: {  	_ =	swait.ge [sflag:s17], $0x2800  }
.Ltmp1:
0x66: {  	[sflag:s17] =	ssyncset.done $0x0;
	(pc) =	sbr.rel @p1 .LBB2_4-.Ltmp1, $4  }
0x67: {  	s22 =	sadd.s32 $0x4F00, s22;
	[sflag:s17] =	ssyncadd.s32 $0xFFFFD800  }
0x68: {  	[spmem:s0] =	stream.indirect.scatter.add.f32 [tilespmem:s14], [sflag:$0x3], $0x80, s22, s16, $0xb8;
	[tilespmem:$0x1C500] =	vst v63  }
0x69: {  	_ =	swait.ge [sflag:s11], $0x2800  }
0x6a: {  	[sflag:s11] =	ssyncset.done $0x0  }
0x6b: {  	[sflag:s11] =	ssyncadd.s32 $0xFFFFD800  }
0x6c: {  	[tilespmem:s14], [sflag:$0x2] =	stream.linear.gather [spmem:s2], $0x2800, $0x38;
	[tilespmem:$0x1C500] =	vst v63  }
0x6d: {  	_ =	swait.ge [sflag:s15], $0x2800  }
0x6e: {  	[sflag:s15] =	ssyncset.done $0x0  }
0x6f: {  	[sflag:s15] =	ssyncadd.s32 $0xFFFFD800  }
0x70: {  	[spmem:s0] =	stream.indirect.scatter.add.f32 [tilespmem:s13], [sflag:$0x3], $0x80, s18, s16, $0xb8;
	[tilespmem:$0x1C500] =	vst v63  }
0x71: {  	_ =	swait.ge [sflag:s11], $0x2800  }
0x72: {  	[sflag:s11] =	ssyncset.done $0x0  }
0x73: {  	[sflag:s11] =	ssyncadd.s32 $0xFFFFD800  }
0x74: {  	_ =	swait.ge [sflag:s17], $0x2800  }
0x75: {  	[sflag:s17] =	ssyncset.done $0x0  }
0x76: {  	[sflag:s17] =	ssyncadd.s32 $0xFFFFD800  }
0x77: {  	[spmem:s0] =	stream.indirect.scatter.add.f32 [tilespmem:s14], [sflag:$0x3], $0x80, s19, s16, $0xb8;
	[tilespmem:$0x1C500] =	vst v63  }
0x78: {  	_ =	swait.ge [sflag:s11], $0x2800  }
0x79: {  	s20 =	sadd.s32 $0x1, s20;
	[sflag:s11] =	ssyncset.done $0x0  }
0x7a: {  	p1 =	sne.s32 s20, s9;
	[sflag:s11] =	ssyncadd.s32 $0xFFFFD800  }
.Ltmp2:
0x7b: {  	[bflag:$0x0] =	sbarrier.arrive $0xFFFF;
	(pc) =	sbr.rel @p1 .LBB2_1-.Ltmp2, $4  }
0x7c: {  	[hbm:s8], [sflag:s6] =	dma.local [spmem:s10], $0x1480  }
0x7d: {  	_ =	swait.ge [sflag:s11], $0x1480  }
0x7e: {  	[sflag:s11] =	ssyncset.done $0x0  }
0x7f: {  	[sflag:s11] =	ssyncadd.s32 $0xFFFFEB80  }
0x80: {  	_ =	sfence.sel $0x180000  }
0x81: {  	[bflag:$0x0] =	sbarrier.arrive $0xFFFF  }
0x82: {  	_ =	strace $0x9000004A  }
0x83: {  	s0 =	sadd.s32 @!p0 $0x100000, s1;
	[bflag:$0x2] =	sbarrier.arrive $0xFFFF  }
0x84: {  	[sflag:s0] =	ssyncadd.tile.s32 @!p0 $0x1;
	_ =	shalt  }
.Lfunc_end2:
_tile_overlayer_lowered:
.L_overlay_start_2:
0x85: {  	(tag) =	ssettag $0x2  }
0x86: {  	s0 =	rddreg [dreg:$0x0];
	s2 =	stileid.u32  }
0x87: {  	s1 =	rddreg [dreg:$0x1];
	p0 =	sne.s32 s2, $0x0  }
0x88: {  	s3 =	rddreg [dreg:$0x2];
	[bflag:$0x3] =	sbarrier.arrive $0xFFFF;
	s2 =	simm.s32 @!p0 $0x1C03  }
0x89: {  	[timem:s3], [sflag:s2] =	dma.local @!p0 [hbm:s0], s1  }
0x8a: {  	s0 =	simm.s32 @!p0 $0x3  }
0x8b: {  	_ =	swait.ge @!p0 [sflag:s0], s1  }
0x8c: {  	s1 =	ssub.s32 @!p0 $0x0, s1;
	[sflag:s0] =	ssyncset.done @!p0 $0x0  }
0x8d: {  	[sflag:s0] =	ssyncadd.s32 @!p0 s1  }
0x8e: {  	[bflag:$0x3] =	sbarrier.arrive $0xFFFF  }
0x8f: {  	_ =	shalt  }

// kernel: kernel.16.cloned.1.call-start
scs
__scs_entry_jumppad:
0x0: {  	(pc) =	sbr.rel $0x88, $3  }
0x1: {  	(tag) =	ssettag $0x0;
	lr =	simm.s32 $0x1  }
0x2: {  	[smem:$0x3F99] =	sst lr;
	_ =	strace $0xD0000000  }
0x3: {  	_ = 	snop  }
0x4: {  	_ = 	snop  }
0x5: {  	_ = 	snop  }
0x6: {  	_ = 	snop  }
0x7: {  	_ = 	snop  }
__scs_overlays_trampoline_lowered:
0x8: {  	[smem:$0x3FA8] =	sst s0  }
0x9: {  	[smem:$0x3FA9] =	sst s1  }
0xa: {  	[smem:$0x3FAA] =	sst s2  }
0xb: {  	[smem:$0x3FAB] =	sst s3  }
0xc: {  	[smem:$0x3FAC] =	sst s4  }
0xd: {  	[smem:$0x3FAD] =	sst s5  }
0xe: {  	[smem:$0x3FAE] =	sst s6  }
0xf: {  	[smem:$0x3FAF] =	sst s7  }
0x10: {  	[smem:$0x3FB0] =	sst s8  }
0x11: {  	[smem:$0x3FB1] =	sst s9;
	s0 =	simm.s32 @!p0 $0x0  }
0x12: {  	s1 =	sld [smem:$0x3F97];
	s0 =	simm.s32 @p0 $0x1  }
0x13: {  	[smem:$0x3FB2] =	sst s0;
	s0 =	simm.s32 @!p1 $0x0  }
0x14: {  	s2 =	sld [smem:$0x3F96];
	s0 =	simm.s32 @p1 $0x1  }
0x15: {  	[smem:$0x3FB3] =	sst s0;
	s0 =	simm.s32 @!p2 $0x0  }
0x16: {  	s3 =	sld [smem:$0x3FDB];
	s0 =	simm.s32 @p2 $0x1  }
0x17: {  	s4 =	simm.s32 $0x1BF5;
	[smem:$0x3FB5] =	sst s0  }
0x18: {  	s0 =	sld [smem:$0x3F98];
	_ =	swait.ge [sflag:s4], $0x0  }
0x19: {  	s7 =	sld [smem:$0x3F99]  }
0x1a: {  	s8 =	sadd.s32 $0xFFFFE003, lr  }
0x1b: {  	s9 =	sadd.s32 $0xFFFFFEF7, lr;
	s5 =	simm.s32 $0xFFFFFFFF;
	p2 =	slt.u32 s8, $0xFFFFF086  }
0x1c: {  	p1 =	slt.u32 s9, $0xF7A;
	s5 =	simm.s32 @!p2 $0x0  }
0x1d: {  	s5 =	simm.s32 @p1 $0x1;
	p0 =	seq.s32 s7, s2  }
0x1e: {  	s7 =	smul.u32 @!p0 $0xF7A, s2;
	p2 =	seq.s32 @!p0 s5, $0x0  }
0x1f: {  	s9 =	smul.u32 $0xF7A, s1;
	s8 =	simm.s32 @!p0 $0x1BF5;
	p2 =	por !p2, p0  }
0x20: {  	[sflag:s8] =	ssyncset.s32 @!p0 $0xFFFFF086;
	s6 =	sadd.s32 @!p0 s3, s7;
	s7 =	simm.s32 @!p0 $0x108  }
0x21: {  	s3 =	sadd.s32 s3, s9;
	s6 =	sadd.s32 @!p0 $0x88, s6;
	s7 =	simm.s32 @p2 $0x1082  }
0x22: {  	[simem:s7], [sflag:s8] =	dma.local @!p0 [hbm:s6], $0xF7A  }
0x23: {  	s9 =	sor.u32 $0xD0000000, s2;
	s6 =	simm.s32 $0x108;
	_ =	swait.ge @!p0 [sflag:s8], $0x0  }
0x24: {  	s3 =	sadd.s32 $0x88, s3;
	s6 =	simm.s32 @!p1 $0x1082;
	[sflag:s4] =	ssyncset.s32 $0xFFFFF086  }
0x25: {  	[simem:s6], [sflag:s4] =	dma.local [hbm:s3], $0xF7A  }
0x26: {  	[smem:$0x3F99] =	sst s1;
	(tag) =	ssettag s2;
	_ =	strace s9  }
0x27: {  	s1 =	sld [smem:$0x3FA9]  }
0x28: {  	s2 =	sld [smem:$0x3FAA]  }
0x29: {  	s4 =	sld [smem:$0x3FAC]  }
0x2a: {  	p0 =	seq.s32 s5, $0x0;
	s5 =	sld [smem:$0x3FAD]  }
0x2b: {  	s6 =	sld [smem:$0x3FAE]  }
0x2c: {  	s7 =	sld [smem:$0x3FAF]  }
0x2d: {  	s3 =	simm.s32 $0x108;
	s8 =	sld [smem:$0x3FB0]  }
0x2e: {  	s3 =	simm.s32 @!p0 $0x1082;
	s9 =	sld [smem:$0x3FB1]  }
0x2f: {  	lr =	sadd.s32 s0, s3;
	s0 =	sld [smem:$0x3FA8]  }
0x30: {  	s3 =	sld [smem:$0x3FAB]  }
0x31: {  	[smem:$0x3FB4] =	sst s10  }
0x32: {  	s10 =	sld [smem:$0x3FB2];
	_ =	sdelay $0x3  }
0x33: {  	p0 =	seq.s32 s10, $0x1;
	s10 =	sld [smem:$0x3FB4];
	_ =	sdelay $0x3  }
0x34: {  	[smem:$0x3FB4] =	sst s10  }
0x35: {  	s10 =	sld [smem:$0x3FB3];
	_ =	sdelay $0x3  }
0x36: {  	p1 =	seq.s32 s10, $0x1;
	s10 =	sld [smem:$0x3FB4];
	_ =	sdelay $0x3  }
0x37: {  	[smem:$0x3FB4] =	sst s10  }
0x38: {  	s10 =	sld [smem:$0x3FB5]  }
0x39: {  	_ = 	snop;
	(pc) =	sbr.ind lr, $3  }
0x3a: {  	_ = 	snop  }
0x3b: {  	_ = 	snop  }
0x3c: {  	p2 =	seq.s32 s10, $0x1;
	s10 =	sld [smem:$0x3FB4]  }
0x3d: {  	_ =	shalt  }
0x3e: {  	_ =	shalt  }
0x3f: {  	_ =	shalt  }
0x40: {  	_ =	shalt  }
0x41: {  	_ =	shalt  }
0x42: {  	_ =	shalt  }
0x43: {  	_ =	shalt  }
0x44: {  	_ =	shalt  }
0x45: {  	_ =	shalt  }
0x46: {  	_ =	shalt  }
0x47: {  	_ =	shalt  }
0x48: {  	_ =	shalt  }
0x49: {  	_ =	shalt  }
0x4a: {  	_ =	shalt  }
0x4b: {  	_ =	shalt  }
0x4c: {  	_ =	shalt  }
0x4d: {  	_ =	shalt  }
0x4e: {  	_ =	shalt  }
0x4f: {  	_ =	shalt  }
0x50: {  	_ =	shalt  }
0x51: {  	_ =	shalt  }
0x52: {  	_ =	shalt  }
0x53: {  	_ =	shalt  }
0x54: {  	_ =	shalt  }
0x55: {  	_ =	shalt  }
0x56: {  	_ =	shalt  }
0x57: {  	_ =	shalt  }
0x58: {  	_ =	shalt  }
0x59: {  	_ =	shalt  }
0x5a: {  	_ =	shalt  }
0x5b: {  	_ =	shalt  }
0x5c: {  	_ =	shalt  }
0x5d: {  	_ =	shalt  }
0x5e: {  	_ =	shalt  }
0x5f: {  	_ =	shalt  }
0x60: {  	_ =	shalt  }
0x61: {  	_ =	shalt  }
0x62: {  	_ =	shalt  }
0x63: {  	_ =	shalt  }
0x64: {  	_ =	shalt  }
0x65: {  	_ =	shalt  }
0x66: {  	_ =	shalt  }
0x67: {  	_ =	shalt  }
0x68: {  	_ =	shalt  }
0x69: {  	_ =	shalt  }
0x6a: {  	_ =	shalt  }
0x6b: {  	_ =	shalt  }
0x6c: {  	_ =	shalt  }
0x6d: {  	_ =	shalt  }
0x6e: {  	_ =	shalt  }
0x6f: {  	_ =	shalt  }
0x70: {  	_ =	shalt  }
0x71: {  	_ =	shalt  }
0x72: {  	_ =	shalt  }
0x73: {  	_ =	shalt  }
0x74: {  	_ =	shalt  }
0x75: {  	_ =	shalt  }
0x76: {  	_ =	shalt  }
0x77: {  	_ =	shalt  }
0x78: {  	_ =	shalt  }
0x79: {  	_ =	shalt  }
0x7a: {  	_ =	shalt  }
0x7b: {  	_ =	shalt  }
0x7c: {  	_ =	shalt  }
0x7d: {  	_ =	shalt  }
0x7e: {  	_ =	shalt  }
0x7f: {  	_ =	shalt  }
0x80: {  	_ =	shalt  }
0x81: {  	_ =	shalt  }
0x82: {  	_ =	shalt  }
0x83: {  	_ =	shalt  }
0x84: {  	_ =	shalt  }
0x85: {  	_ =	shalt  }
0x86: {  	_ =	shalt  }
0x87: {  	_ =	shalt  }
.Lfunc_end0:
.L_simem_size_0:
called_computation.2_lowered:
.L_overlay_start_0:
0x88: {  	s2 =	sld [smem:$0x3FD9]  }
0x89: {  	s3 =	sld [smem:$0x3FFE];
	_ =	sdelay $0x1  }
0x8a: {  	s1 =	srdreg.scid  }
0x8b: {  	s0 =	sand.u32 $0x1, s1  }
0x8c: {  	s15 =	sshll.u32 s0, $0xA;
	s2 =	sadd.s32 s3, s2  }
0x8d: {  	s2 =	sadd.s32 s2, s15  }
0x8e: {  	[smem:$0x3FC0] =	sst s2  }
0x8f: {  	_ = 	snop  }
0x90: {  	s2 =	sld [smem:$0x3FD0];
	_ =	sdelay $0x2  }
0x91: {  	s16 =	simm.s32 $0xB;
	s4 =	simm.s32 $0x10  }
0x92: {  	[smem:s4], [sflag:s16] =	dma.local [hbm:s2], $0x1  }
0x93: {  	_ =	swait.eq [sflag:s16], $0x1  }
0x94: {  	[sflag:s16] =	ssyncset.done $0x0  }
0x95: {  	[sflag:s16] =	ssyncadd.s32 $0xFFFFFFFF  }
0x96: {  	s17 =	sld [smem:$0x11];
	(tm) =	ssettm $0x1  }
0x97: {  	s18 =	sld [smem:$0x3FFB];
	_ =	sdelay $0x3  }
0x98: {  	_ =	strace s18  }
0x99: {  	s2 =	sld [smem:$0x3FFC];
	_ =	sdelay $0x3  }
0x9a: {  	_ =	strace s2  }
0x9b: {  	s2 =	sld [smem:$0x3FFD];
	_ =	sdelay $0x3  }
0x9c: {  	_ =	strace s2  }
0x9d: {  	_ =	strace $0x8FFFFFFF  }
0x9e: {  	s19 =	sld [smem:$0x3FDB];
	_ =	sdelay $0x1  }
0x9f: {  	s20 =	simm.s32 $_scs_section_size  }
0xa0: {  	s5 =	simm.s32 $_size__tile_overlayer_lowered;
	s6 =	simm.s32 $_tile_overlayer_lowered  }
0xa1: {  	s7 =	simm.s32 $0x1BFF;
	s21 =	sshll.u32 s6, $0x1;
	s4 =	sadd.s32 s20, s19  }
0xa2: {  	s22 =	simm.s32 $0x0;
	s5 =	sshll.u32 s5, $0x1;
	s6 =	sadd.s32 s21, s4  }
0xa3: {  	[timem:s22], [sflag:s7] =	dma.local [hbm:s6], s5  }
0xa4: {  	_ =	swait.ge [sflag:s7], s5  }
0xa5: {  	s5 =	ssub.s32 $0x0, s5;
	[sflag:s7] =	ssyncset.done $0x0  }
0xa6: {  	[sflag:s7] =	ssyncadd.s32 s5;
	_ =	sdelay $0x1  }
0xa7: {  	s23 =	simm.s32 $0x1B8B  }
0xa8: {  	_ =	swait.ge [sflag:s23], $0x1  }
0xa9: {  	[sflag:s23] =	ssyncset.done $0x0  }
0xaa: {  	[sflag:s23] =	ssyncadd.s32 $0xFFFFFFFF  }
0xab: {  	s5 =	sld [smem:$0x0]  }
0xac: {  	s6 =	sand.u32 $0xFFFFFFFE, s1  }
0xad: {  	p0 =	sne.s32 s1, s6  }
0xae: {  	s6 =	sshll.u32 @p0 s6, $0xE  }
0xaf: {  	s6 =	sadd.s32 @p0 $0x11B8D, s6;
	s7 =	sshll.u32 @p0 s5, $0x11  }
0xb0: {  	s6 =	sor.u32 @p0 s7, s6  }
0xb1: {  	[sflag:s6] =	ssyncadd.remote.s32 @p0 $0x1;
	_ =	sdelay $0x1  }
0xb2: {  	s6 =	simm.s32 @p0 $0x1B8D  }
0xb3: {  	_ =	swait.eq @p0 [sflag:s6], $0x1  }
0xb4: {  	[sflag:s6] =	ssyncadd.s32 @p0 $0xFFFFFFFF  }
0xb5: {  	s7 =	sshll.u32 @!p0 s1, $0xE  }
0xb6: {  	s7 =	sor.u32 @!p0 $0x4000, s7;
	s6 =	simm.s32 @!p0 $0x1B8D  }
0xb7: {  	s5 =	sshll.u32 @!p0 s5, $0x11;
	s7 =	sadd.s32 @!p0 $0x11B8D, s7;
	_ =	swait.eq @!p0 [sflag:s6], $0x1  }
0xb8: {  	s5 =	sor.u32 @!p0 s5, s7;
	[sflag:s6] =	ssyncadd.s32 @!p0 $0xFFFFFFFF  }
0xb9: {  	s25 =	simm.s32 $0x1B8E;
	s24 =	sld [smem:$0x3FFE];
	[sflag:s5] =	ssyncadd.remote.s32 @!p0 $0x1  }
0xba: {  	s26 =	simm.s32 $execute0_lowered;
	[smem:$0x3FD2] =	sst s25  }
0xbb: {  	s6 =	sshll.u32 s26, $0x1;
	_ =	strace $0x8000004C;
	[dreg:$0x1] =	wrdreg $0xFFFFFFFF  }
0xbc: {  	s28 =	simm.s32 $_size_execute0_lowered;
	s4 =	sadd.s32 s4, s6;
	[dreg:$0x0] =	wrdreg $0x0  }
0xbd: {  	s6 =	sshll.u32 s28, $0x1;
	[dreg:$0x2] =	wrdreg s4  }
0xbe: {  	[dreg:$0x3] =	wrdreg s6  }
0xbf: {  	[dreg:$0x4] =	wrdreg $0xC0  }
0xc0: {  	_ =	task [dreg:s22], $0x5FFFF  }
0xc1: {  	[dreg:$0x1] =	wrdreg $0xFFFFFFFF  }
0xc2: {  	[dreg:$0x0] =	wrdreg $0x60  }
0xc3: {  	[dreg:$0x2] =	wrdreg s17  }
0xc4: {  	[dreg:$0x3] =	wrdreg s24  }
0xc5: {  	[dreg:$0x4] =	wrdreg $0x11E800  }
0xc6: {  	[dreg:$0x5] =	wrdreg $0xA  }
0xc7: {  	_ =	task.clear_ibuf [dreg:s22], $0x6FFFF;
	_ =	strace $0x9000004C  }
0xc8: {  	s29 =	simm.s32 $0xA;
	_ =	strace $0x8000004E  }
0xc9: {  	_ =	swait.ge [sflag:s29], $0x1  }
0xca: {  	[sflag:s29] =	ssyncadd.s32 $0xFFFFFFFF  }
0xcb: {  	_ =	strace $0x9000004E  }
0xcc: {  	_ =	sfence  }
0xcd: {  	s30 =	sld [smem:$0x0];
	_ =	sdelay $0x2  }
0xce: {  	s31 =	sshll.u32 s1, $0xD;
	s1 =	sshrl.u32 s1, $0x2  }
0xcf: {  	s4 =	sand.u32 $0x4000, s31;
	s1 =	sadd.s32 s1, s30  }
0xd0: {  	s0 =	sor.u32 s4, s0;
	s1 =	sshll.u32 s1, $0x11  }
0xd1: {  	s0 =	sor.u32 s1, s0  }
0xd2: {  	s0 =	sadd.s32 $0x8F2B, s0  }
0xd3: {  	[sflag:s0] =	ssyncadd.remote.s32 $0x1  }
0xd4: {  	_ =	sfence.sel $0xFFFF  }
0xd5: {  	[dreg:$0x0] =	wrdreg $0xFFFFFFFF;
	(pc) =	sbr.abs _section_cstart, $3  }
0xd6: {  	[dreg:$0x1] =	wrdreg $0xFFFFFFFF  }
0xd7: {  	_ =	task.clear_ibuf [dreg:s22], $0x2FFFF;
	_ =	strace $0x9FFFFFFF  }
0xd8: {  	(tm) =	ssettm $0x7FFFFFFF  }
0xd9: {  	_ =	shalt  }
tec
execute0_lowered:
.L_overlay_start_1:
0x0: {  	(tag) =	ssettag $0x1  }
0x1: {  	s7 =	rddreg [dreg:$0x0]  }
0x2: {  	s5 =	rddreg [dreg:$0x1];
	s0 =	stileid.u32  }
0x3: {  	s1 =	srdreg.scid;
	s2 =	rddreg [dreg:$0x2];
	s3 =	simm.s32 $0x0  }
0x4: {  	s13 =	simm.s32 $0x3;
	s14 =	simm.s32 $0xCE80;
	s15 =	simm.s32 $0xF680  }
0x5: {  	s16 =	simm.s32 $0x1;
	s17 =	simm.s32 $0x50;
	s4 =	smul.u32 $0x4E20, s0  }
0x6: {  	s18 =	simm.s32 $0x2;
	s20 =	simm.s32 $0xCB00;
	s9 =	smul.u32 $0xA400, s0  }
0x7: {  	s6 =	sand.u32 $0x1, s1;
	s1 =	rddreg [dreg:$0x3];
	s11 =	smul.u32 $0x29000, s0  }
0x8: {  	s21 =	simm.s32 $0x0;
	[smem:$0x7FF] =	sst s3;
	s31 =	smul.u32 $0x4E200, s0  }
0x9: {  	s30 =	sshll.u32 s0, $0x6;
	s8 =	smul.u32 $0xA4000, s6;
	_ =	strace $0x8000004D  }
0xa: {  	s26 =	ssub.s32 $0x2, s6;
	s19 =	smul.u32 $0xFFFFEC00, s6;
	s4 =	sshrl.u32 s4, $0x3  }
0xb: {  	s12 =	sshrl.u32 s26, $0x1;
	s28 =	sshrl.u32 s11, $0x2;
	s7 =	sadd.s32 s7, s31  }
0xc: {  	s10 =	sadd.s32 s4, s5;
	s8 =	sadd.s32 s9, s8;
	s4 =	sadd.s32 $0x53BE00, s5  }
0xd: {  	s9 =	ssub.s32 s26, s12;
	s29 =	sadd.s32 s28, s2;
	s11 =	sadd.s32 $0x500, s7  }
0xe: {  	v0 =	vmov s19;
	s19 =	simm.s32 $0xCA80;
	s8 =	sshrl.u32 s8, $0x3;
	s6 =	sadd.s32 $0x1800, s10  }
0xf: {  	s9 =	smax.u32 s9, $0x1;
	s10 =	sadd.s32 $0x4DD00, s7;
	s8 =	sadd.s32 s8, s5  }
0x10: {  	s12 =	sshrl.u32 s29, $0x3;
	s5 =	sor.u32 $0x1C03, s30;
	s8 =	sadd.s32 $0xB600, s8  }
.LBB2_1:
0x11: {  	[spmem:s12], [sflag:s5] =	dma.local [hbm:s4], $0x1480  }
0x12: {  	_ =	swait.ge [sflag:s13], $0x1480  }
0x13: {  	[sflag:s13] =	ssyncset.done $0x0  }
0x14: {  	[sflag:s13] =	ssyncadd.s32 $0xFFFFEB80  }
0x15: {  	[tilespmem:s3], [sflag:$0x3] =	stream.linear.gather [hbm4b:s6+s3], $0x4E20, $0x38;
	[tilespmem:$0x1C280] =	vst v63  }
0x16: {  	_ =	swait.ge [sflag:s13], $0x4E20  }
0x17: {  	[sflag:s13] =	ssyncset.done $0x0  }
0x18: {  	s22 =	simm.s32 $0x20;
	[sflag:s13] =	ssyncadd.s32 $0xFFFFB1E0  }
0x19: {  	s23 =	simm.s32 $0x200;
	s24 =	simm.s32 $0x0;
	v1 =	vld [tilespmem:s22+$0xFFFFFFE0]  }
.LBB2_2:
0x1a: {  	p0 =	sne.s32 s23, $0x1F200;
	_ =	sdelay $0x3  }
0x1b: {  	v1 =	vadd.s32 v0, v1  }
0x1c: {  	s25 =	sshra.s32 s24, $0x2;
	s24 =	smov.u32 s23;
	v1 =	vmin.u32 v1, $0x1400  }
0x1d: {  	[tilespmem:s25+$0x4E80] =	vst v1  }
0x1e: {  	v1 =	vld [tilespmem:s22+$0xFFFFFFF0];
	_ =	sdelay $0x4  }
0x1f: {  	v1 =	vadd.s32 v0, v1  }
0x20: {  	v1 =	vmin.u32 v1, $0x1400  }
0x21: {  	[tilespmem:s25+$0x4E90] =	vst v1  }
0x22: {  	v1 =	vld [tilespmem:s22+$0x0];
	_ =	sdelay $0x4  }
0x23: {  	v1 =	vadd.s32 v0, v1  }
0x24: {  	v1 =	vmin.u32 v1, $0x1400  }
0x25: {  	[tilespmem:s25+$0x4EA0] =	vst v1  }
0x26: {  	v1 =	vld [tilespmem:s22+$0x10];
	_ =	sdelay $0x4  }
0x27: {  	v1 =	vadd.s32 v0, v1  }
0x28: {  	v1 =	vmin.u32 v1, $0x1400  }
0x29: {  	[tilespmem:s25+$0x4EB0] =	vst v1  }
0x2a: {  	v1 =	vld [tilespmem:s22+$0x20];
	_ =	sdelay $0x3  }
.Ltmp0:
0x2b: {  	(pc) =	sbr.rel @p0 .LBB2_2-.Ltmp0, $4  }
0x2c: {  	v1 =	vadd.s32 v0, v1  }
0x2d: {  	v1 =	vmin.u32 v1, $0x1400  }
0x2e: {  	s22 =	sadd.s32 $0x50, s22;
	[tilespmem:s25+$0x4EC0] =	vst v1  }
0x2f: {  	s23 =	sadd.s32 $0x200, s23;
	v1 =	vld [tilespmem:s22+$0xFFFFFFE0]  }
0x30: {  	_ =	sdelay $0x3  }
0x31: {  	v1 =	vadd.s32 v0, v1  }
0x32: {  	s23 =	sshra.s32 s24, $0x2;
	v1 =	vmin.u32 v1, $0x1400  }
0x33: {  	[tilespmem:s23+$0x4E80] =	vst v1  }
0x34: {  	v1 =	vld [tilespmem:s22+$0xFFFFFFF0];
	_ =	sdelay $0x4  }
0x35: {  	v1 =	vadd.s32 v0, v1  }
0x36: {  	v1 =	vmin.u32 v1, $0x1400  }
0x37: {  	[tilespmem:s23+$0x4E90] =	vst v1  }
0x38: {  	v1 =	vld [tilespmem:s22+$0x0];
	_ =	sdelay $0x4  }
0x39: {  	v1 =	vadd.s32 v0, v1  }
0x3a: {  	v1 =	vmin.u32 v1, $0x1400  }
0x3b: {  	[tilespmem:s23+$0x4EA0] =	vst v1  }
0x3c: {  	v1 =	vld [tilespmem:s22+$0x10];
	_ =	sdelay $0x4  }
0x3d: {  	v1 =	vadd.s32 v0, v1  }
0x3e: {  	v1 =	vmin.u32 v1, $0x1400  }
0x3f: {  	[tilespmem:s23+$0x4EB0] =	vst v1  }
0x40: {  	v1 =	vld [tilespmem:s22+$0x20];
	_ =	sdelay $0x4  }
0x41: {  	v1 =	vadd.s32 v0, v1  }
0x42: {  	v1 =	vmin.u32 v1, $0x1400  }
0x43: {  	[tilespmem:s23+$0x4EC0] =	vst v1  }
0x44: {  	s28 =	simm.s32 $0x0;
	[bflag:$0x0] =	sbarrier.arrive $0xFFFF  }
0x45: {  	[tilespmem:s14], [sflag:$0x1] =	stream.linear.gather [hbm4b:s7+s28], $0x2800, $0x38;
	[tilespmem:$0x1C280] =	vst v63  }
0x46: {  	_ = 	snop  }
0x47: {  	[tilespmem:s15], [sflag:$0x2] =	stream.linear.gather [hbm4b:s11+s3], $0x2800, $0x38;
	[tilespmem:$0x1C280] =	vst v63  }
0x48: {  	_ =	swait.ge [sflag:s16], $0x2800  }
0x49: {  	[sflag:s16] =	ssyncset.done $0x0  }
0x4a: {  	s29 =	simm.s32 $0x4E80;
	[sflag:s16] =	ssyncadd.s32 $0xFFFFD800  }
0x4b: {  	[spmem:s2] =	stream.indirect.scatter.add.f32 [tilespmem:s14], [sflag:$0x3], $0x80, s29, s17, $0xb8;
	[tilespmem:$0x1C280] =	vst v63  }
0x4c: {  	_ =	swait.ge [sflag:s13], $0x2800  }
0x4d: {  	[sflag:s13] =	ssyncset.done $0x0  }
0x4e: {  	s30 =	sadd.s32 $0x500, s11;
	[sflag:s13] =	ssyncadd.s32 $0xFFFFD800  }
0x4f: {  	[tilespmem:s14], [sflag:$0x1] =	stream.linear.gather [hbm4b:s30+s3], $0x2800, $0x38;
	[tilespmem:$0x1C280] =	vst v63  }
0x50: {  	_ =	swait.ge [sflag:s18], $0x2800  }
0x51: {  	[sflag:s18] =	ssyncset.done $0x0  }
0x52: {  	s31 =	simm.s32 $0x4F00;
	[sflag:s18] =	ssyncadd.s32 $0xFFFFD800  }
0x53: {  	[spmem:s2] =	stream.indirect.scatter.add.f32 [tilespmem:s15], [sflag:$0x3], $0x80, s31, s17, $0xb8;
	[tilespmem:$0x1C280] =	vst v63  }
0x54: {  	_ =	swait.ge [sflag:s13], $0x2800  }
0x55: {  	s22 =	simm.s32 $0x400;
	s23 =	smov.u32 s11;
	[sflag:s13] =	ssyncset.done $0x0  }
.LBB2_4:
0x56: {  	p0 =	sne.s32 s22, $0x1EC00;
	[sflag:s13] =	ssyncadd.s32 $0xFFFFD800;
	s23 =	sadd.s32 $0xA00, s23  }
0x57: {  	[tilespmem:s15], [sflag:$0x2] =	stream.linear.gather [hbm4b:s23+s3], $0x2800, $0x38;
	[tilespmem:$0x1C280] =	vst v63  }
0x58: {  	s24 =	smov.u32 s22;
	s22 =	sadd.s32 $0x400, s22;
	_ =	swait.ge [sflag:s16], $0x2800  }
0x59: {  	s24 =	sshra.s32 s24, $0x2;
	[sflag:s16] =	ssyncset.done $0x0  }
0x5a: {  	s25 =	sadd.s32 $0x4E80, s24;
	[sflag:s16] =	ssyncadd.s32 $0xFFFFD800  }
0x5b: {  	[spmem:s2] =	stream.indirect.scatter.add.f32 [tilespmem:s14], [sflag:$0x3], $0x80, s25, s17, $0xb8;
	[tilespmem:$0x1C280] =	vst v63  }
0x5c: {  	_ =	swait.ge [sflag:s13], $0x2800  }
0x5d: {  	[sflag:s13] =	ssyncset.done $0x0  }
0x5e: {  	s25 =	sadd.s32 $0x500, s23;
	[sflag:s13] =	ssyncadd.s32 $0xFFFFD800  }
0x5f: {  	[tilespmem:s14], [sflag:$0x1] =	stream.linear.gather [hbm4b:s25+s3], $0x2800, $0x38;
	[tilespmem:$0x1C280] =	vst v63  }
0x60: {  	_ =	swait.ge [sflag:s18], $0x2800  }
.Ltmp1:
0x61: {  	[sflag:s18] =	ssyncset.done $0x0;
	(pc) =	sbr.rel @p0 .LBB2_4-.Ltmp1, $4  }
0x62: {  	s24 =	sadd.s32 $0x4F00, s24;
	[sflag:s18] =	ssyncadd.s32 $0xFFFFD800  }
0x63: {  	[spmem:s2] =	stream.indirect.scatter.add.f32 [tilespmem:s15], [sflag:$0x3], $0x80, s24, s17, $0xb8;
	[tilespmem:$0x1C280] =	vst v63  }
0x64: {  	_ =	swait.ge [sflag:s13], $0x2800  }
0x65: {  	[sflag:s13] =	ssyncset.done $0x0  }
0x66: {  	[sflag:s13] =	ssyncadd.s32 $0xFFFFD800  }
0x67: {  	[tilespmem:s15], [sflag:$0x2] =	stream.linear.gather [hbm4b:s10+s3], $0x2800, $0x38;
	[tilespmem:$0x1C280] =	vst v63  }
0x68: {  	_ =	swait.ge [sflag:s16], $0x2800  }
0x69: {  	[sflag:s16] =	ssyncset.done $0x0  }
0x6a: {  	[sflag:s16] =	ssyncadd.s32 $0xFFFFD800  }
0x6b: {  	[spmem:s2] =	stream.indirect.scatter.add.f32 [tilespmem:s14], [sflag:$0x3], $0x80, s19, s17, $0xb8;
	[tilespmem:$0x1C280] =	vst v63  }
0x6c: {  	_ =	swait.ge [sflag:s13], $0x2800  }
0x6d: {  	[sflag:s13] =	ssyncset.done $0x0  }
0x6e: {  	[sflag:s13] =	ssyncadd.s32 $0xFFFFD800  }
0x6f: {  	_ =	swait.ge [sflag:s18], $0x2800  }
0x70: {  	[sflag:s18] =	ssyncset.done $0x0  }
0x71: {  	[sflag:s18] =	ssyncadd.s32 $0xFFFFD800  }
0x72: {  	[spmem:s2] =	stream.indirect.scatter.add.f32 [tilespmem:s15], [sflag:$0x3], $0x80, s20, s17, $0xb8;
	[tilespmem:$0x1C280] =	vst v63  }
0x73: {  	_ =	swait.ge [sflag:s13], $0x2800  }
0x74: {  	s21 =	sadd.s32 $0x1, s21;
	[sflag:s13] =	ssyncset.done $0x0  }
0x75: {  	p0 =	sne.s32 s21, s9;
	[sflag:s13] =	ssyncadd.s32 $0xFFFFD800  }
.Ltmp2:
0x76: {  	[bflag:$0x0] =	sbarrier.arrive $0xFFFF;
	(pc) =	sbr.rel @p0 .LBB2_1-.Ltmp2, $4  }
0x77: {  	[hbm:s8], [sflag:s5] =	dma.local [spmem:s12], $0x1480  }
0x78: {  	_ =	swait.ge [sflag:s13], $0x1480  }
0x79: {  	[sflag:s13] =	ssyncset.done $0x0  }
0x7a: {  	[sflag:s13] =	ssyncadd.s32 $0xFFFFEB80  }
0x7b: {  	_ =	sfence.sel $0x180000  }
0x7c: {  	[bflag:$0x0] =	sbarrier.arrive $0xFFFF  }
0x7d: {  	p0 =	sne.s32 s0, $0x0;
	_ =	strace $0x9000004D  }
0x7e: {  	s0 =	sadd.s32 @!p0 $0x100000, s1;
	[bflag:$0x2] =	sbarrier.arrive $0xFFFF  }
0x7f: {  	[sflag:s0] =	ssyncadd.tile.s32 @!p0 $0x1;
	_ =	shalt  }
.Lfunc_end2:
_tile_overlayer_lowered:
.L_overlay_start_2:
0x80: {  	(tag) =	ssettag $0x2  }
0x81: {  	s0 =	rddreg [dreg:$0x0];
	s2 =	stileid.u32  }
0x82: {  	s1 =	rddreg [dreg:$0x1];
	p0 =	sne.s32 s2, $0x0  }
0x83: {  	s3 =	rddreg [dreg:$0x2];
	[bflag:$0x3] =	sbarrier.arrive $0xFFFF;
	s2 =	simm.s32 @!p0 $0x1C03  }
0x84: {  	[timem:s3], [sflag:s2] =	dma.local @!p0 [hbm:s0], s1  }
0x85: {  	s0 =	simm.s32 @!p0 $0x3  }
0x86: {  	_ =	swait.ge @!p0 [sflag:s0], s1  }
0x87: {  	s1 =	ssub.s32 @!p0 $0x0, s1;
	[sflag:s0] =	ssyncset.done @!p0 $0x0  }
0x88: {  	[sflag:s0] =	ssyncadd.s32 @!p0 s1  }
0x89: {  	[bflag:$0x3] =	sbarrier.arrive $0xFFFF  }
0x8a: {  	_ =	shalt  }

</sc_bundles>
